<compile_context>
chip_gen: v7x
topology: tpu7x:2x2x1
jax: 0.10.2.dev20260603
libtpu: 0.0.44.dev20260713+nightly
codegen_flags: <defaults>
</compile_context>

<pallas_src>
import jax
import jax.numpy as jnp
from jax import lax
from jax.experimental import pallas as pl
from jax.experimental.pallas import tpu as pltpu
from jax.experimental.pallas import tpu_sc as plsc

N = 8
TMAX = 512
UMAX = 64
V = 128
NCHUNK = 5
NEG = -1e30
NDIAG = TMAX - 1 + UMAX
HEB = 528
GDP = 80
LUT = 4112
AH = 80 * (NDIAG + 1)


def _log1p_poly(z):
    p = z * (-0.0172077992) + 0.0817256453
    p = p * z + (-0.188780824)
    p = p * z + 0.314589174
    p = p * z + (-0.496977431)
    p = p * z + 0.999792362
    p = p * z + 3.51102136e-06
    return p


_TAKE_DN = lax.GatherDimensionNumbers(
    offset_dims=(), collapsed_slice_dims=(0,), start_index_map=(0,))


def _take(v, idx):
    return lax.gather(v, idx[:, None], _TAKE_DN, slice_sizes=(1,),
                      mode=lax.GatherScatterMode.PROMISE_IN_BOUNDS)


def _body(enc_hbm, dec_hbm, y_hbm, il_hbm, tl_hbm, out_hbm,
          enc_v, dec_v, y_v, il_v, tl_v, hebp, gdp, tnn, ah, out_v, qtab, sem):
    cid = lax.axis_index("c")
    sid = lax.axis_index("s")
    wid = sid * 2 + cid

    @pl.when(wid < N)
    def _run():
        b = wid
        cps = [pltpu.async_copy(enc_hbm.at[b], enc_v, sem),
               pltpu.async_copy(dec_hbm.at[b], dec_v, sem),
               pltpu.async_copy(y_hbm.at[b], y_v, sem),
               pltpu.async_copy(il_hbm, il_v.at[pl.ds(0, N)], sem),
               pltpu.async_copy(tl_hbm, tl_v.at[pl.ds(0, N)], sem)]

        iot = lax.iota(jnp.int32, 16)
        zero16 = jnp.zeros((16,), jnp.int32)
        zf16 = jnp.zeros((16,), jnp.float32)
        neg16 = jnp.full((16,), NEG, jnp.float32)
        pm1 = jnp.maximum(iot - 1, 0)
        lane0 = iot == 0
        p15 = jnp.full((16,), 15, jnp.int32)

        e0 = jnp.exp(-(iot.astype(jnp.float32) + 0.5) * (1.0 / 256.0))
        rmul = jnp.full((16,), 0.9394130628, jnp.float32)

        def _build(k, e):
            tnn[pl.ds(k * 16, 16)] = _log1p_poly(e)
            return e * rmul
        lax.fori_loop(0, LUT // 16, _build, e0)
        for c in range(NCHUNK):
            plsc.store_scatter(qtab, [iot * NCHUNK + c], iot + (16 * c))

        for cp in cps:
            cp.wait()

        b16 = jnp.full((16,), b, jnp.int32)
        t_len = jnp.max(plsc.load_gather(il_v, [b16]))
        u_len = jnp.max(plsc.load_gather(tl_v, [b16]))
        d_target = t_len - 1 + u_len
        fin = (plsc.load_gather(enc_v, [jnp.full((16,), t_len - 1, jnp.int32), zero16])
               + plsc.load_gather(dec_v, [jnp.full((16,), u_len, jnp.int32), zero16]))

        hebp[pl.ds(0, 16)] = zf16
        carr = zf16
        for k in range(TMAX // 16):
            v = plsc.load_gather(enc_v, [iot + 16 * k, zero16])
            cs = carr + plsc.cumsum(v)
            hebp[pl.ds(16 * k + 1, 16)] = cs
            carr = _take(cs, p15)
        gdp[pl.ds(0, 16)] = zf16
        gdp[pl.ds(64, 16)] = zf16
        carr = zf16
        for k in range(UMAX // 16):
            uv = iot + 16 * k
            yv = plsc.load_gather(y_v, [uv])
            v = plsc.load_gather(dec_v, [uv, yv])
            cs = carr + plsc.cumsum(v)
            gdp[pl.ds(16 * k + 1, 16)] = cs
            carr = _take(cs, p15)


        consts = []
        for c in range(NCHUNK):
            u = iot * NCHUNK + c
            um1 = jnp.clip(u - 1, 0, UMAX - 1)
            yh = plsc.load_gather(y_v, [um1])
            ucl = jnp.minimum(u, UMAX)
            db = plsc.load_gather(dec_v, [ucl, zero16])
            consts.extend((u, yh, db))
        consts = tuple(consts)

        r_init = [jnp.where(iot == 0, 0.0, NEG)] + [neg16] * (NCHUNK - 1)

        def step(d, rp, cs):
            off = d * 80
            C = range(NCHUNK)
            us = [cs[3 * c] for c in C]
            yhs = [cs[3 * c + 1] for c in C]
            dbs = [cs[3 * c + 2] for c in C]
            tcls = [jnp.clip(d - us[c], 0, TMAX - 1) for c in C]
            ghes = [plsc.load_gather(enc_v, [tcls[c], yhs[c]]) for c in C]
            sh0 = _take(rp[NCHUNK - 1], pm1)
            hps = [jnp.where(lane0, NEG, sh0)] + [rp[c - 1] for c in range(1, NCHUNK)]
            verts = [rp[c] + dbs[c] for c in C]
            horizs = [hps[c] + ghes[c] for c in C]
            ms = [jnp.maximum(verts[c], horizs[c]) for c in C]
            ss = [jnp.minimum(verts[c], horizs[c]) for c in C]
            xs = [jnp.minimum((ms[c] - ss[c]) * 256.0, 4095.0) for c in C]
            xis = [xs[c].astype(jnp.int32) for c in C]
            gs = [plsc.load_gather(tnn, [xis[c]]) for c in C]
            rn = [ms[c] + gs[c] for c in C]
            for c in C:
                ah[pl.ds(off + 16 * c, 16)] = rn[c]
            return rn

        def loop_body(i, carry):
            cs = carry[:3 * NCHUNK]
            rp = list(carry[3 * NCHUNK:])
            d = 2 * i + 1
            rp = step(d, rp, cs)
            rp = step(d + 1, rp, cs)
            return cs + tuple(rp)

        carry = lax.fori_loop(0, (NDIAG - 1) // 2, loop_body,
                              consts + tuple(r_init))
        step(NDIAG, list(carry[3 * NCHUNK:]), consts)

        slot = plsc.load_gather(qtab, [jnp.full((16,), u_len, jnp.int32)])
        av = plsc.load_gather(ah, [slot + (d_target * 80)])
        he = plsc.load_gather(hebp, [jnp.full((16,), t_len - 1, jnp.int32)])
        gd = plsc.load_gather(gdp, [jnp.full((16,), u_len, jnp.int32)])
        out_v[pl.ds(0, 16)] = av + fin + (he + gd)
        pltpu.sync_copy(out_v, out_hbm.at[b])


@jax.jit
def _rnnt_sc(enc, dec, y, il, tl):
    mesh = plsc.VectorSubcoreMesh(core_axis_name="c", subcore_axis_name="s",
                                  num_cores=2, num_subcores=16)
    f = pl.kernel(
        _body,
        out_type=jax.ShapeDtypeStruct((N, 16), jnp.float32),
        mesh=mesh,
        compiler_params=pltpu.CompilerParams(needs_layout_passes=False),
        scratch_types=[
            pltpu.VMEM((TMAX, V), jnp.float32),
            pltpu.VMEM((UMAX + 1, V), jnp.float32),
            pltpu.VMEM((UMAX,), jnp.int32),
            pltpu.VMEM((16,), jnp.int32),
            pltpu.VMEM((16,), jnp.int32),
            pltpu.VMEM((HEB,), jnp.float32),
            pltpu.VMEM((GDP,), jnp.float32),
            pltpu.VMEM((LUT,), jnp.float32),
            pltpu.VMEM((AH,), jnp.float32),
            pltpu.VMEM((16,), jnp.float32),
            pltpu.VMEM((80,), jnp.int32),
            pltpu.SemaphoreType.DMA,
        ],
    )
    return f(enc, dec, y, il, tl)


def kernel(encoder_out, decoder_out, targets, input_lengths, target_lengths):
    y = targets.astype(jnp.int32)
    il = input_lengths.astype(jnp.int32)
    tl = target_lengths.astype(jnp.int32)
    out = _rnnt_sc(encoder_out, decoder_out, y, il, tl)
    return out[:, 0]

# --- scband reference (transcript-rebuilt; emitter-appended) ---
"""Pipeline reference for scband-transducer-loss-83451214561751 (READ-ONLY COPY).

The authoritative reference and input builder live on the scoring server;
editing this copy changes nothing except your own understanding.
"""

import jax, jax.numpy as jnp
import numpy as np

BLANK = 0

def _log_prob_single(enc, dec, y, blank, T, U):
    # enc: (Tmax, V) float32, dec: (Umax+1, V) float32, y: (Umax,) int
    Umax = y.shape[0]
    # emit[t, u] = enc[t, y[u]] + dec[u, y[u]]  (emission score for label u at time t)
    emit = enc[:, y] + dec[jnp.arange(Umax), y][None, :]           # (Tmax, Umax)
    # blank_sc[t, u] = enc[t, blank] + dec[u, blank]
    blank_sc = enc[:, blank][:, None] + dec[:, blank][None, :]     # (Tmax, Umax+1)
    # Row t=0: log_alpha[0,0]=0; log_alpha[0,u] = log_alpha[0,u-1] + emit[0,u-1]
    row0 = jnp.concatenate([jnp.zeros((1,), enc.dtype), jnp.cumsum(emit[0])])
    def row_step(prev_row, xs):
        em_t, bl_tm1 = xs  # emit[t] (Umax,), blank_sc[t-1] (Umax+1,)
        # u=0: log_alpha[t,0] = log_alpha[t-1,0] + enc[t-1,blank] + dec[0,blank]
        a0 = prev_row[0] + bl_tm1[0]
        diag_terms = prev_row[1:] + bl_tm1[1:]  # log_alpha[t-1,u] + null_t_1_u
        def inner(carry, z):
            diag, em = z
            val = jnp.logaddexp(diag, carry + em)
            return val, val
        _, rest = jax.lax.scan(inner, a0, (diag_terms, em_t))
        new_row = jnp.concatenate([a0[None], rest])
        return new_row, new_row
    _, rows = jax.lax.scan(row_step, row0, (emit[1:], blank_sc[:-1]))
    all_rows = jnp.concatenate([row0[None, :], rows], axis=0)      # (Tmax, Umax+1)
    # log_p = log_alpha[T-1, U] + enc[T-1,blank] + dec[U,blank]
    return all_rows[T - 1, U] + blank_sc[T - 1, U]

def setup_inputs(seed: int = 0) -> dict:
    key = jax.random.key(seed)
    k1, k2, k3, k4, k5 = jax.random.split(key, 5)
    N, Tmax, Umax, V = 8, 512, 64, 128
    encoder_out = jax.random.normal(k1, (N, Tmax, V), dtype=jnp.float32)
    decoder_out = jax.random.normal(k2, (N, Umax + 1, V), dtype=jnp.float32)
    targets = jax.random.randint(k3, (N, Umax), 1, V)
    input_lengths = jax.random.randint(k4, (N,), Tmax // 2, Tmax + 1)
    target_lengths = jax.random.randint(k5, (N,), Umax // 2, Umax + 1)
    return {
        "encoder_out": encoder_out,
        "decoder_out": decoder_out,
        "targets": targets,
        "input_lengths": input_lengths,
        "target_lengths": target_lengths,
    }

def reference(encoder_out, decoder_out, targets, input_lengths, target_lengths):
    def one(enc, dec, y, T, U):
        return _log_prob_single(enc, dec, y, BLANK, T, U)
    return jax.vmap(one)(encoder_out, decoder_out, targets, input_lengths, target_lengths)

if __name__ == "__main__":
    import jax
    _d = setup_inputs()
    print(jax.jit(kernel)(*tuple(_d.values())))

</pallas_src>

<mosaic_0001>
#map = affine_map<(d0, d1) -> (0, 0, 0)>
#map1 = affine_map<(d0, d1) -> (0, 0)>
#map2 = affine_map<(d0, d1) -> (0)>
module attributes {stable_mosaic.version = 14 : i64} {
  func.func @_body(%arg0: i32, %arg1: i32, %arg2: memref<8x512x128xf32, #tpu.memory_space<hbm>>, %arg3: memref<8x65x128xf32, #tpu.memory_space<hbm>>, %arg4: memref<8x64xi32, #tpu.memory_space<hbm>>, %arg5: memref<8xi32, #tpu.memory_space<hbm>>, %arg6: memref<8xi32, #tpu.memory_space<hbm>>, %arg7: memref<8x16xf32, #tpu.memory_space<hbm>>, %arg8: memref<512x128xf32, #tpu.memory_space<vmem>>, %arg9: memref<65x128xf32, #tpu.memory_space<vmem>>, %arg10: memref<64xi32, #tpu.memory_space<vmem>>, %arg11: memref<16xi32, #tpu.memory_space<vmem>>, %arg12: memref<16xi32, #tpu.memory_space<vmem>>, %arg13: memref<528xf32, #tpu.memory_space<vmem>>, %arg14: memref<80xf32, #tpu.memory_space<vmem>>, %arg15: memref<4112xf32, #tpu.memory_space<vmem>>, %arg16: memref<46080xf32, #tpu.memory_space<vmem>>, %arg17: memref<16xf32, #tpu.memory_space<vmem>>, %arg18: memref<80xi32, #tpu.memory_space<vmem>>, %arg19: memref<!tpu.dma_semaphore, #tpu.memory_space<semaphore_mem>>) attributes {dimension_semantics = [#tpu.dimension_semantics<core_parallel>, #tpu.dimension_semantics<subcore_parallel>], iteration_bounds = array<i64: 2, 16>, scalar_prefetch = 0 : i64, scratch_operands = 12 : i64, tpu.core_type = #tpu.core_type<sc_vector_subcore>, window_params = [{transform_indices = #map}, {transform_indices = #map}, {transform_indices = #map1}, {transform_indices = #map2}, {transform_indices = #map2}, {transform_indices = #map1}]} {
    %mul3A = arith.constant 2 : i32
    %mul3A_0 = arith.muli %arg1, %mul3A : i32
    %add3A = arith.addi %mul3A_0, %arg0 : i32
    %lt3A = arith.constant 8 : i32
    %lt3A_1 = arith.cmpi slt, %add3A, %lt3A : i32
    %convert_element_type3A = arith.extui %lt3A_1 : i1 to i32
    %cond3A = arith.constant 0 : i32
    %cond3A_2 = arith.cmpi ne, %convert_element_type3A, %cond3A : i32
    scf.if %cond3A_2 {
      %dma_start3A = arith.constant 0 : i32
      %dma_start3A_3 = arith.constant 0 : i32
      %dma_start3A_4 = tpu.memref_slice %arg2[%add3A, %dma_start3A, %dma_start3A_3] : memref<8x512x128xf32, #tpu.memory_space<hbm>> -> memref<1x512x128xf32, #tpu.memory_space<hbm>>
      %dma_start3A_5 = tpu.memref_squeeze %dma_start3A_4 : memref<1x512x128xf32, #tpu.memory_space<hbm>> -> memref<512x128xf32, #tpu.memory_space<hbm>>
      %dma_start3A_6 = arith.constant 0 : i32
      %dma_start3A_7 = arith.constant 0 : i32
      %dma_start3A_8 = tpu.memref_slice %arg2[%add3A, %dma_start3A_6, %dma_start3A_7] : memref<8x512x128xf32, #tpu.memory_space<hbm>> -> memref<1x512x128xf32, #tpu.memory_space<hbm>>
      %dma_start3A_9 = tpu.memref_squeeze %dma_start3A_8 : memref<1x512x128xf32, #tpu.memory_space<hbm>> -> memref<512x128xf32, #tpu.memory_space<hbm>>
      tpu.enqueue_dma source(%dma_start3A_9 : memref<512x128xf32, #tpu.memory_space<hbm>>) target(%arg8 : memref<512x128xf32, #tpu.memory_space<vmem>>) target_semaphore(%arg19 : memref<!tpu.dma_semaphore, #tpu.memory_space<semaphore_mem>>)
      %dma_start3A_10 = arith.constant 0 : i32
      %dma_start3A_11 = arith.constant 0 : i32
      %dma_start3A_12 = tpu.memref_slice %arg3[%add3A, %dma_start3A_10, %dma_start3A_11] : memref<8x65x128xf32, #tpu.memory_space<hbm>> -> memref<1x65x128xf32, #tpu.memory_space<hbm>>
      %dma_start3A_13 = tpu.memref_squeeze %dma_start3A_12 : memref<1x65x128xf32, #tpu.memory_space<hbm>> -> memref<65x128xf32, #tpu.memory_space<hbm>>
      %dma_start3A_14 = arith.constant 0 : i32
      %dma_start3A_15 = arith.constant 0 : i32
      %dma_start3A_16 = tpu.memref_slice %arg3[%add3A, %dma_start3A_14, %dma_start3A_15] : memref<8x65x128xf32, #tpu.memory_space<hbm>> -> memref<1x65x128xf32, #tpu.memory_space<hbm>>
      %dma_start3A_17 = tpu.memref_squeeze %dma_start3A_16 : memref<1x65x128xf32, #tpu.memory_space<hbm>> -> memref<65x128xf32, #tpu.memory_space<hbm>>
      tpu.enqueue_dma source(%dma_start3A_17 : memref<65x128xf32, #tpu.memory_space<hbm>>) target(%arg9 : memref<65x128xf32, #tpu.memory_space<vmem>>) target_semaphore(%arg19 : memref<!tpu.dma_semaphore, #tpu.memory_space<semaphore_mem>>)
      %dma_start3A_18 = arith.constant 0 : i32
      %dma_start3A_19 = tpu.memref_slice %arg4[%add3A, %dma_start3A_18] : memref<8x64xi32, #tpu.memory_space<hbm>> -> memref<1x64xi32, #tpu.memory_space<hbm>>
      %dma_start3A_20 = tpu.memref_squeeze %dma_start3A_19 : memref<1x64xi32, #tpu.memory_space<hbm>> -> memref<64xi32, #tpu.memory_space<hbm>>
      %dma_start3A_21 = arith.constant 0 : i32
      %dma_start3A_22 = tpu.memref_slice %arg4[%add3A, %dma_start3A_21] : memref<8x64xi32, #tpu.memory_space<hbm>> -> memref<1x64xi32, #tpu.memory_space<hbm>>
      %dma_start3A_23 = tpu.memref_squeeze %dma_start3A_22 : memref<1x64xi32, #tpu.memory_space<hbm>> -> memref<64xi32, #tpu.memory_space<hbm>>
      tpu.enqueue_dma source(%dma_start3A_23 : memref<64xi32, #tpu.memory_space<hbm>>) target(%arg10 : memref<64xi32, #tpu.memory_space<vmem>>) target_semaphore(%arg19 : memref<!tpu.dma_semaphore, #tpu.memory_space<semaphore_mem>>)
      %dma_start3A_24 = arith.constant 0 : i32
      %dma_start3A_25 = tpu.memref_slice %arg11[%dma_start3A_24] : memref<16xi32, #tpu.memory_space<vmem>> -> memref<8xi32, #tpu.memory_space<vmem>>
      %dma_start3A_26 = arith.constant 0 : i32
      %dma_start3A_27 = tpu.memref_slice %arg11[%dma_start3A_26] : memref<16xi32, #tpu.memory_space<vmem>> -> memref<8xi32, #tpu.memory_space<vmem>>
      tpu.enqueue_dma source(%arg5 : memref<8xi32, #tpu.memory_space<hbm>>) target(%dma_start3A_27 : memref<8xi32, #tpu.memory_space<vmem>>) target_semaphore(%arg19 : memref<!tpu.dma_semaphore, #tpu.memory_space<semaphore_mem>>)
      %dma_start3A_28 = arith.constant 0 : i32
      %dma_start3A_29 = tpu.memref_slice %arg12[%dma_start3A_28] : memref<16xi32, #tpu.memory_space<vmem>> -> memref<8xi32, #tpu.memory_space<vmem>>
      %dma_start3A_30 = arith.constant 0 : i32
      %dma_start3A_31 = tpu.memref_slice %arg12[%dma_start3A_30] : memref<16xi32, #tpu.memory_space<vmem>> -> memref<8xi32, #tpu.memory_space<vmem>>
      tpu.enqueue_dma source(%arg6 : memref<8xi32, #tpu.memory_space<hbm>>) target(%dma_start3A_31 : memref<8xi32, #tpu.memory_space<vmem>>) target_semaphore(%arg19 : memref<!tpu.dma_semaphore, #tpu.memory_space<semaphore_mem>>)
      %iota3A = tpu.iota {dimensions = array<i32: 0>} : vector<16xi32>
      %broadcast_in_dim3A = arith.constant 0 : i32
      %broadcast_in_dim3A_32 = vector.broadcast %broadcast_in_dim3A : i32 to vector<16xi32>
      %broadcast_in_dim3A_33 = arith.constant 0.000000e+00 : f32
      %broadcast_in_dim3A_34 = vector.broadcast %broadcast_in_dim3A_33 : f32 to vector<16xf32>
      %broadcast_in_dim3A_35 = arith.constant -1.000000e+30 : f32
      %broadcast_in_dim3A_36 = vector.broadcast %broadcast_in_dim3A_35 : f32 to vector<16xf32>
      %sub3A = arith.constant 1 : i32
      %sub3A_37 = vector.broadcast %sub3A : i32 to vector<16xi32>
      %sub3A_38 = arith.subi %iota3A, %sub3A_37 : vector<16xi32>
      %max3A = arith.constant 0 : i32
      %max3A_39 = vector.broadcast %max3A : i32 to vector<16xi32>
      %max3A_40 = arith.maxsi %sub3A_38, %max3A_39 : vector<16xi32>
      %eq3A = arith.constant 0 : i32
      %eq3A_41 = vector.broadcast %eq3A : i32 to vector<16xi32>
      %eq3A_42 = arith.cmpi eq, %iota3A, %eq3A_41 : vector<16xi32>
      %broadcast_in_dim3A_43 = arith.constant 15 : i32
      %broadcast_in_dim3A_44 = vector.broadcast %broadcast_in_dim3A_43 : i32 to vector<16xi32>
      %convert_element_type3A_45 = arith.sitofp %iota3A : vector<16xi32> to vector<16xf32>
      %add3A_46 = arith.constant 5.000000e-01 : f32
      %add3A_47 = vector.broadcast %add3A_46 : f32 to vector<16xf32>
      %add3A_48 = arith.addf %convert_element_type3A_45, %add3A_47 : vector<16xf32>
      %neg3A = arith.constant 0.000000e+00 : f32
      %neg3A_49 = vector.broadcast %neg3A : f32 to vector<16xf32>
      %neg3A_50 = arith.subf %neg3A_49, %add3A_48 : vector<16xf32>
      %mul3A_51 = arith.constant 3.906250e-03 : f32
      %mul3A_52 = vector.broadcast %mul3A_51 : f32 to vector<16xf32>
      %mul3A_53 = arith.mulf %neg3A_50, %mul3A_52 : vector<16xf32>
      %exp3A = math.exp %mul3A_53 : vector<16xf32>
      %broadcast_in_dim3A_54 = arith.constant 0.93941307 : f32
      %broadcast_in_dim3A_55 = vector.broadcast %broadcast_in_dim3A_54 : f32 to vector<16xf32>
      %scan3A = arith.constant 0 : i32
      %scan3A_56 = arith.constant 257 : i32
      %scan3A_57 = arith.addi %scan3A, %scan3A_56 : i32
      %scan3A_58 = arith.constant 1 : i32
      %scan3A_59 = scf.for %scan3A_903 = %scan3A to %scan3A_57 step %scan3A_58 iter_args(%scan3A_904 = %exp3A) -> (vector<16xf32>)  : i32 {
        %mul3A_905 = arith.constant -1.720780e-02 : f32
        %mul3A_906 = vector.broadcast %mul3A_905 : f32 to vector<16xf32>
        %mul3A_907 = arith.mulf %scan3A_904, %mul3A_906 : vector<16xf32>
        %add3A_908 = arith.constant 0.0817256421 : f32
        %add3A_909 = vector.broadcast %add3A_908 : f32 to vector<16xf32>
        %add3A_910 = arith.addf %mul3A_907, %add3A_909 : vector<16xf32>
        %mul3A_911 = arith.mulf %add3A_910, %scan3A_904 : vector<16xf32>
        %add3A_912 = arith.constant -0.188780829 : f32
        %add3A_913 = vector.broadcast %add3A_912 : f32 to vector<16xf32>
        %add3A_914 = arith.addf %mul3A_911, %add3A_913 : vector<16xf32>
        %mul3A_915 = arith.mulf %add3A_914, %scan3A_904 : vector<16xf32>
        %add3A_916 = arith.constant 0.314589173 : f32
        %add3A_917 = vector.broadcast %add3A_916 : f32 to vector<16xf32>
        %add3A_918 = arith.addf %mul3A_915, %add3A_917 : vector<16xf32>
        %mul3A_919 = arith.mulf %add3A_918, %scan3A_904 : vector<16xf32>
        %add3A_920 = arith.constant -0.496977419 : f32
        %add3A_921 = vector.broadcast %add3A_920 : f32 to vector<16xf32>
        %add3A_922 = arith.addf %mul3A_919, %add3A_921 : vector<16xf32>
        %mul3A_923 = arith.mulf %add3A_922, %scan3A_904 : vector<16xf32>
        %add3A_924 = arith.constant 0.999792337 : f32
        %add3A_925 = vector.broadcast %add3A_924 : f32 to vector<16xf32>
        %add3A_926 = arith.addf %mul3A_923, %add3A_925 : vector<16xf32>
        %mul3A_927 = arith.mulf %add3A_926, %scan3A_904 : vector<16xf32>
        %add3A_928 = arith.constant 3.5110213E-6 : f32
        %add3A_929 = vector.broadcast %add3A_928 : f32 to vector<16xf32>
        %add3A_930 = arith.addf %mul3A_927, %add3A_929 : vector<16xf32>
        %mul3A_931 = arith.constant 16 : i32
        %mul3A_932 = arith.muli %scan3A_903, %mul3A_931 : i32
        %swap3A_933 = arith.index_cast %mul3A_932 : i32 to index
        %swap3A_934 = tpu.vector_load %arg15[%swap3A_933] {strides = array<i32>} : memref<4112xf32, #tpu.memory_space<vmem>>, vector<16xf32>,
        tpu.vector_store %arg15[%swap3A_933], %add3A_930 {strides = array<i32>} : memref<4112xf32, #tpu.memory_space<vmem>>, vector<16xf32>,
        %mul3A_935 = arith.mulf %scan3A_904, %broadcast_in_dim3A_55 : vector<16xf32>
        scf.yield %mul3A_935 : vector<16xf32>
      }
      %scan3A_60 = arith.constant 257 : i32
      %mul3A_61 = arith.constant 5 : i32
      %mul3A_62 = vector.broadcast %mul3A_61 : i32 to vector<16xi32>
      %mul3A_63 = arith.muli %iota3A, %mul3A_62 : vector<16xi32>
      %add3A_64 = arith.constant 0 : i32
      %add3A_65 = vector.broadcast %add3A_64 : i32 to vector<16xi32>
      %add3A_66 = arith.addi %mul3A_63, %add3A_65 : vector<16xi32>
      %add3A_67 = arith.constant 0 : i32
      %add3A_68 = vector.broadcast %add3A_67 : i32 to vector<16xi32>
      %add3A_69 = arith.addi %iota3A, %add3A_68 : vector<16xi32>
      tpu.vector_store_idx %arg18[%add3A_66], %add3A_69 : memref<80xi32, #tpu.memory_space<vmem>>[vector<16xi32>], vector<16xi32>,
      %mul3A_70 = arith.constant 5 : i32
      %mul3A_71 = vector.broadcast %mul3A_70 : i32 to vector<16xi32>
      %mul3A_72 = arith.muli %iota3A, %mul3A_71 : vector<16xi32>
      %add3A_73 = arith.constant 1 : i32
      %add3A_74 = vector.broadcast %add3A_73 : i32 to vector<16xi32>
      %add3A_75 = arith.addi %mul3A_72, %add3A_74 : vector<16xi32>
      %add3A_76 = arith.constant 16 : i32
      %add3A_77 = vector.broadcast %add3A_76 : i32 to vector<16xi32>
      %add3A_78 = arith.addi %iota3A, %add3A_77 : vector<16xi32>
      tpu.vector_store_idx %arg18[%add3A_75], %add3A_78 : memref<80xi32, #tpu.memory_space<vmem>>[vector<16xi32>], vector<16xi32>,
      %mul3A_79 = arith.constant 5 : i32
      %mul3A_80 = vector.broadcast %mul3A_79 : i32 to vector<16xi32>
      %mul3A_81 = arith.muli %iota3A, %mul3A_80 : vector<16xi32>
      %add3A_82 = arith.constant 2 : i32
      %add3A_83 = vector.broadcast %add3A_82 : i32 to vector<16xi32>
      %add3A_84 = arith.addi %mul3A_81, %add3A_83 : vector<16xi32>
      %add3A_85 = arith.constant 32 : i32
      %add3A_86 = vector.broadcast %add3A_85 : i32 to vector<16xi32>
      %add3A_87 = arith.addi %iota3A, %add3A_86 : vector<16xi32>
      tpu.vector_store_idx %arg18[%add3A_84], %add3A_87 : memref<80xi32, #tpu.memory_space<vmem>>[vector<16xi32>], vector<16xi32>,
      %mul3A_88 = arith.constant 5 : i32
      %mul3A_89 = vector.broadcast %mul3A_88 : i32 to vector<16xi32>
      %mul3A_90 = arith.muli %iota3A, %mul3A_89 : vector<16xi32>
      %add3A_91 = arith.constant 3 : i32
      %add3A_92 = vector.broadcast %add3A_91 : i32 to vector<16xi32>
      %add3A_93 = arith.addi %mul3A_90, %add3A_92 : vector<16xi32>
      %add3A_94 = arith.constant 48 : i32
      %add3A_95 = vector.broadcast %add3A_94 : i32 to vector<16xi32>
      %add3A_96 = arith.addi %iota3A, %add3A_95 : vector<16xi32>
      tpu.vector_store_idx %arg18[%add3A_93], %add3A_96 : memref<80xi32, #tpu.memory_space<vmem>>[vector<16xi32>], vector<16xi32>,
      %mul3A_97 = arith.constant 5 : i32
      %mul3A_98 = vector.broadcast %mul3A_97 : i32 to vector<16xi32>
      %mul3A_99 = arith.muli %iota3A, %mul3A_98 : vector<16xi32>
      %add3A_100 = arith.constant 4 : i32
      %add3A_101 = vector.broadcast %add3A_100 : i32 to vector<16xi32>
      %add3A_102 = arith.addi %mul3A_99, %add3A_101 : vector<16xi32>
      %add3A_103 = arith.constant 64 : i32
      %add3A_104 = vector.broadcast %add3A_103 : i32 to vector<16xi32>
      %add3A_105 = arith.addi %iota3A, %add3A_104 : vector<16xi32>
      tpu.vector_store_idx %arg18[%add3A_102], %add3A_105 : memref<80xi32, #tpu.memory_space<vmem>>[vector<16xi32>], vector<16xi32>,
      %dma_wait3A = arith.constant 0 : i32
      %dma_wait3A_106 = arith.constant 0 : i32
      %dma_wait3A_107 = tpu.memref_slice %arg2[%add3A, %dma_wait3A, %dma_wait3A_106] : memref<8x512x128xf32, #tpu.memory_space<hbm>> -> memref<1x512x128xf32, #tpu.memory_space<hbm>>
      %dma_wait3A_108 = tpu.memref_squeeze %dma_wait3A_107 : memref<1x512x128xf32, #tpu.memory_space<hbm>> -> memref<512x128xf32, #tpu.memory_space<hbm>>
      %dma_wait3A_109 = arith.constant 0 : i32
      %dma_wait3A_110 = arith.constant 0 : i32
      %dma_wait3A_111 = tpu.memref_slice %arg2[%add3A, %dma_wait3A_109, %dma_wait3A_110] : memref<8x512x128xf32, #tpu.memory_space<hbm>> -> memref<1x512x128xf32, #tpu.memory_space<hbm>>
      %dma_wait3A_112 = tpu.memref_squeeze %dma_wait3A_111 : memref<1x512x128xf32, #tpu.memory_space<hbm>> -> memref<512x128xf32, #tpu.memory_space<hbm>>
      tpu.wait_dma2 semaphore(%arg19 : memref<!tpu.dma_semaphore, #tpu.memory_space<semaphore_mem>>) src(%dma_wait3A_112 : memref<512x128xf32, #tpu.memory_space<hbm>>) dst(%arg8 : memref<512x128xf32, #tpu.memory_space<vmem>>)
      %dma_wait3A_113 = arith.constant 0 : i32
      %dma_wait3A_114 = arith.constant 0 : i32
      %dma_wait3A_115 = tpu.memref_slice %arg3[%add3A, %dma_wait3A_113, %dma_wait3A_114] : memref<8x65x128xf32, #tpu.memory_space<hbm>> -> memref<1x65x128xf32, #tpu.memory_space<hbm>>
      %dma_wait3A_116 = tpu.memref_squeeze %dma_wait3A_115 : memref<1x65x128xf32, #tpu.memory_space<hbm>> -> memref<65x128xf32, #tpu.memory_space<hbm>>
      %dma_wait3A_117 = arith.constant 0 : i32
      %dma_wait3A_118 = arith.constant 0 : i32
      %dma_wait3A_119 = tpu.memref_slice %arg3[%add3A, %dma_wait3A_117, %dma_wait3A_118] : memref<8x65x128xf32, #tpu.memory_space<hbm>> -> memref<1x65x128xf32, #tpu.memory_space<hbm>>
      %dma_wait3A_120 = tpu.memref_squeeze %dma_wait3A_119 : memref<1x65x128xf32, #tpu.memory_space<hbm>> -> memref<65x128xf32, #tpu.memory_space<hbm>>
      tpu.wait_dma2 semaphore(%arg19 : memref<!tpu.dma_semaphore, #tpu.memory_space<semaphore_mem>>) src(%dma_wait3A_120 : memref<65x128xf32, #tpu.memory_space<hbm>>) dst(%arg9 : memref<65x128xf32, #tpu.memory_space<vmem>>)
      %dma_wait3A_121 = arith.constant 0 : i32
      %dma_wait3A_122 = tpu.memref_slice %arg4[%add3A, %dma_wait3A_121] : memref<8x64xi32, #tpu.memory_space<hbm>> -> memref<1x64xi32, #tpu.memory_space<hbm>>
      %dma_wait3A_123 = tpu.memref_squeeze %dma_wait3A_122 : memref<1x64xi32, #tpu.memory_space<hbm>> -> memref<64xi32, #tpu.memory_space<hbm>>
      %dma_wait3A_124 = arith.constant 0 : i32
      %dma_wait3A_125 = tpu.memref_slice %arg4[%add3A, %dma_wait3A_124] : memref<8x64xi32, #tpu.memory_space<hbm>> -> memref<1x64xi32, #tpu.memory_space<hbm>>
      %dma_wait3A_126 = tpu.memref_squeeze %dma_wait3A_125 : memref<1x64xi32, #tpu.memory_space<hbm>> -> memref<64xi32, #tpu.memory_space<hbm>>
      tpu.wait_dma2 semaphore(%arg19 : memref<!tpu.dma_semaphore, #tpu.memory_space<semaphore_mem>>) src(%dma_wait3A_126 : memref<64xi32, #tpu.memory_space<hbm>>) dst(%arg10 : memref<64xi32, #tpu.memory_space<vmem>>)
      %dma_wait3A_127 = arith.constant 0 : i32
      %dma_wait3A_128 = tpu.memref_slice %arg11[%dma_wait3A_127] : memref<16xi32, #tpu.memory_space<vmem>> -> memref<8xi32, #tpu.memory_space<vmem>>
      %dma_wait3A_129 = arith.constant 0 : i32
      %dma_wait3A_130 = tpu.memref_slice %arg11[%dma_wait3A_129] : memref<16xi32, #tpu.memory_space<vmem>> -> memref<8xi32, #tpu.memory_space<vmem>>
      tpu.wait_dma2 semaphore(%arg19 : memref<!tpu.dma_semaphore, #tpu.memory_space<semaphore_mem>>) src(%arg5 : memref<8xi32, #tpu.memory_space<hbm>>) dst(%dma_wait3A_130 : memref<8xi32, #tpu.memory_space<vmem>>)
      %dma_wait3A_131 = arith.constant 0 : i32
      %dma_wait3A_132 = tpu.memref_slice %arg12[%dma_wait3A_131] : memref<16xi32, #tpu.memory_space<vmem>> -> memref<8xi32, #tpu.memory_space<vmem>>
      %dma_wait3A_133 = arith.constant 0 : i32
      %dma_wait3A_134 = tpu.memref_slice %arg12[%dma_wait3A_133] : memref<16xi32, #tpu.memory_space<vmem>> -> memref<8xi32, #tpu.memory_space<vmem>>
      tpu.wait_dma2 semaphore(%arg19 : memref<!tpu.dma_semaphore, #tpu.memory_space<semaphore_mem>>) src(%arg6 : memref<8xi32, #tpu.memory_space<hbm>>) dst(%dma_wait3A_134 : memref<8xi32, #tpu.memory_space<vmem>>)
      %broadcast_in_dim3A_135 = vector.broadcast %add3A : i32 to vector<16xi32>
      %gather3A = tpu.vector_load_idx %arg11[%broadcast_in_dim3A_135] : memref<16xi32, #tpu.memory_space<vmem>>[vector<16xi32>], vector<16xi32>,
      %reduce_max3A = arith.constant true
      %reduce_max3A_136 = vector.broadcast %reduce_max3A : i1 to vector<16xi1>
      %reduce_max3A_137 = arith.constant -2147483648 : i32
      %reduce_max3A_138 = vector.broadcast %reduce_max3A_137 : i32 to vector<16xi32>
      %reduce_max3A_139 = arith.xori %gather3A, %reduce_max3A_138 : vector<16xi32>
      %reduce_max3A_140 = tpu.scan <max>, %reduce_max3A_139 masked %reduce_max3A_136 : vector<16xi32>, vector<16xi1> -> vector<16xi32>
      %reduce_max3A_141 = arith.xori %reduce_max3A_140, %reduce_max3A_138 : vector<16xi32>
      %reduce_max3A_142 = vector.extract %reduce_max3A_141[15] : i32 from vector<16xi32>
      %gather3A_143 = tpu.vector_load_idx %arg12[%broadcast_in_dim3A_135] : memref<16xi32, #tpu.memory_space<vmem>>[vector<16xi32>], vector<16xi32>,
      %reduce_max3A_144 = arith.constant true
      %reduce_max3A_145 = vector.broadcast %reduce_max3A_144 : i1 to vector<16xi1>
      %reduce_max3A_146 = arith.constant -2147483648 : i32
      %reduce_max3A_147 = vector.broadcast %reduce_max3A_146 : i32 to vector<16xi32>
      %reduce_max3A_148 = arith.xori %gather3A_143, %reduce_max3A_147 : vector<16xi32>
      %reduce_max3A_149 = tpu.scan <max>, %reduce_max3A_148 masked %reduce_max3A_145 : vector<16xi32>, vector<16xi1> -> vector<16xi32>
      %reduce_max3A_150 = arith.xori %reduce_max3A_149, %reduce_max3A_147 : vector<16xi32>
      %reduce_max3A_151 = vector.extract %reduce_max3A_150[15] : i32 from vector<16xi32>
      %sub3A_152 = arith.constant 1 : i32
      %sub3A_153 = arith.subi %reduce_max3A_142, %sub3A_152 : i32
      %add3A_154 = arith.addi %sub3A_153, %reduce_max3A_151 : i32
      %sub3A_155 = arith.constant 1 : i32
      %sub3A_156 = arith.subi %reduce_max3A_142, %sub3A_155 : i32
      %broadcast_in_dim3A_157 = vector.broadcast %sub3A_156 : i32 to vector<16xi32>
      %gather3A_158 = tpu.vector_load_idx %arg8[%broadcast_in_dim3A_157, %broadcast_in_dim3A_32] : memref<512x128xf32, #tpu.memory_space<vmem>>[vector<16xi32>, vector<16xi32>], vector<16xf32>,
      %broadcast_in_dim3A_159 = vector.broadcast %reduce_max3A_151 : i32 to vector<16xi32>
      %gather3A_160 = tpu.vector_load_idx %arg9[%broadcast_in_dim3A_159, %broadcast_in_dim3A_32] : memref<65x128xf32, #tpu.memory_space<vmem>>[vector<16xi32>, vector<16xi32>], vector<16xf32>,
      %add3A_161 = arith.addf %gather3A_158, %gather3A_160 : vector<16xf32>
      %swap3A = arith.constant 0 : index
      %swap3A_162 = tpu.vector_load %arg13[%swap3A] {strides = array<i32>} : memref<528xf32, #tpu.memory_space<vmem>>, vector<16xf32>,
      tpu.vector_store %arg13[%swap3A], %broadcast_in_dim3A_34 {strides = array<i32>} : memref<528xf32, #tpu.memory_space<vmem>>, vector<16xf32>,
      %add3A_163 = arith.constant 0 : i32
      %add3A_164 = vector.broadcast %add3A_163 : i32 to vector<16xi32>
      %add3A_165 = arith.addi %iota3A, %add3A_164 : vector<16xi32>
      %gather3A_166 = tpu.vector_load_idx %arg8[%add3A_165, %broadcast_in_dim3A_32] : memref<512x128xf32, #tpu.memory_space<vmem>>[vector<16xi32>, vector<16xi32>], vector<16xf32>,
      %broadcast_in_dim3A_167 = arith.constant true
      %broadcast_in_dim3A_168 = vector.broadcast %broadcast_in_dim3A_167 : i1 to vector<16xi1>
      %masked_cumsum3A = tpu.scan <sum>, %gather3A_166 masked %broadcast_in_dim3A_168 : vector<16xf32>, vector<16xi1> -> vector<16xf32>
      %add3A_169 = arith.addf %broadcast_in_dim3A_34, %masked_cumsum3A : vector<16xf32>
      %swap3A_170 = arith.constant 1 : index
      %swap3A_171 = tpu.vector_load %arg13[%swap3A_170] {strides = array<i32>} : memref<528xf32, #tpu.memory_space<vmem>>, vector<16xf32>,
      tpu.vector_store %arg13[%swap3A_170], %add3A_169 {strides = array<i32>} : memref<528xf32, #tpu.memory_space<vmem>>, vector<16xf32>,
      %broadcast_in_dim3A_172 = vector.shape_cast %broadcast_in_dim3A_44 : vector<16xi32> to vector<16x1xi32>
      %gather3A_173 = vector.shape_cast %broadcast_in_dim3A_172 : vector<16x1xi32> to vector<16xi32>
      %gather3A_174 = tpu.dynamic_gather %add3A_169[%gather3A_173] in [0] : vector<16xf32>, vector<16xi32> -> vector<16xf32>
      %add3A_175 = arith.constant 16 : i32
      %add3A_176 = vector.broadcast %add3A_175 : i32 to vector<16xi32>
      %add3A_177 = arith.addi %iota3A, %add3A_176 : vector<16xi32>
      %gather3A_178 = tpu.vector_load_idx %arg8[%add3A_177, %broadcast_in_dim3A_32] : memref<512x128xf32, #tpu.memory_space<vmem>>[vector<16xi32>, vector<16xi32>], vector<16xf32>,
      %broadcast_in_dim3A_179 = arith.constant true
      %broadcast_in_dim3A_180 = vector.broadcast %broadcast_in_dim3A_179 : i1 to vector<16xi1>
      %masked_cumsum3A_181 = tpu.scan <sum>, %gather3A_178 masked %broadcast_in_dim3A_180 : vector<16xf32>, vector<16xi1> -> vector<16xf32>
      %add3A_182 = arith.addf %gather3A_174, %masked_cumsum3A_181 : vector<16xf32>
      %swap3A_183 = arith.constant 17 : index
      %swap3A_184 = tpu.vector_load %arg13[%swap3A_183] {strides = array<i32>} : memref<528xf32, #tpu.memory_space<vmem>>, vector<16xf32>,
      tpu.vector_store %arg13[%swap3A_183], %add3A_182 {strides = array<i32>} : memref<528xf32, #tpu.memory_space<vmem>>, vector<16xf32>,
      %broadcast_in_dim3A_185 = vector.shape_cast %broadcast_in_dim3A_44 : vector<16xi32> to vector<16x1xi32>
      %gather3A_186 = vector.shape_cast %broadcast_in_dim3A_185 : vector<16x1xi32> to vector<16xi32>
      %gather3A_187 = tpu.dynamic_gather %add3A_182[%gather3A_186] in [0] : vector<16xf32>, vector<16xi32> -> vector<16xf32>
      %add3A_188 = arith.constant 32 : i32
      %add3A_189 = vector.broadcast %add3A_188 : i32 to vector<16xi32>
      %add3A_190 = arith.addi %iota3A, %add3A_189 : vector<16xi32>
      %gather3A_191 = tpu.vector_load_idx %arg8[%add3A_190, %broadcast_in_dim3A_32] : memref<512x128xf32, #tpu.memory_space<vmem>>[vector<16xi32>, vector<16xi32>], vector<16xf32>,
      %broadcast_in_dim3A_192 = arith.constant true
      %broadcast_in_dim3A_193 = vector.broadcast %broadcast_in_dim3A_192 : i1 to vector<16xi1>
      %masked_cumsum3A_194 = tpu.scan <sum>, %gather3A_191 masked %broadcast_in_dim3A_193 : vector<16xf32>, vector<16xi1> -> vector<16xf32>
      %add3A_195 = arith.addf %gather3A_187, %masked_cumsum3A_194 : vector<16xf32>
      %swap3A_196 = arith.constant 33 : index
      %swap3A_197 = tpu.vector_load %arg13[%swap3A_196] {strides = array<i32>} : memref<528xf32, #tpu.memory_space<vmem>>, vector<16xf32>,
      tpu.vector_store %arg13[%swap3A_196], %add3A_195 {strides = array<i32>} : memref<528xf32, #tpu.memory_space<vmem>>, vector<16xf32>,
      %broadcast_in_dim3A_198 = vector.shape_cast %broadcast_in_dim3A_44 : vector<16xi32> to vector<16x1xi32>
      %gather3A_199 = vector.shape_cast %broadcast_in_dim3A_198 : vector<16x1xi32> to vector<16xi32>
      %gather3A_200 = tpu.dynamic_gather %add3A_195[%gather3A_199] in [0] : vector<16xf32>, vector<16xi32> -> vector<16xf32>
      %add3A_201 = arith.constant 48 : i32
      %add3A_202 = vector.broadcast %add3A_201 : i32 to vector<16xi32>
      %add3A_203 = arith.addi %iota3A, %add3A_202 : vector<16xi32>
      %gather3A_204 = tpu.vector_load_idx %arg8[%add3A_203, %broadcast_in_dim3A_32] : memref<512x128xf32, #tpu.memory_space<vmem>>[vector<16xi32>, vector<16xi32>], vector<16xf32>,
      %broadcast_in_dim3A_205 = arith.constant true
      %broadcast_in_dim3A_206 = vector.broadcast %broadcast_in_dim3A_205 : i1 to vector<16xi1>
      %masked_cumsum3A_207 = tpu.scan <sum>, %gather3A_204 masked %broadcast_in_dim3A_206 : vector<16xf32>, vector<16xi1> -> vector<16xf32>
      %add3A_208 = arith.addf %gather3A_200, %masked_cumsum3A_207 : vector<16xf32>
      %swap3A_209 = arith.constant 49 : index
      %swap3A_210 = tpu.vector_load %arg13[%swap3A_209] {strides = array<i32>} : memref<528xf32, #tpu.memory_space<vmem>>, vector<16xf32>,
      tpu.vector_store %arg13[%swap3A_209], %add3A_208 {strides = array<i32>} : memref<528xf32, #tpu.memory_space<vmem>>, vector<16xf32>,
      %broadcast_in_dim3A_211 = vector.shape_cast %broadcast_in_dim3A_44 : vector<16xi32> to vector<16x1xi32>
      %gather3A_212 = vector.shape_cast %broadcast_in_dim3A_211 : vector<16x1xi32> to vector<16xi32>
      %gather3A_213 = tpu.dynamic_gather %add3A_208[%gather3A_212] in [0] : vector<16xf32>, vector<16xi32> -> vector<16xf32>
      %add3A_214 = arith.constant 64 : i32
      %add3A_215 = vector.broadcast %add3A_214 : i32 to vector<16xi32>
      %add3A_216 = arith.addi %iota3A, %add3A_215 : vector<16xi32>
      %gather3A_217 = tpu.vector_load_idx %arg8[%add3A_216, %broadcast_in_dim3A_32] : memref<512x128xf32, #tpu.memory_space<vmem>>[vector<16xi32>, vector<16xi32>], vector<16xf32>,
      %broadcast_in_dim3A_218 = arith.constant true
      %broadcast_in_dim3A_219 = vector.broadcast %broadcast_in_dim3A_218 : i1 to vector<16xi1>
      %masked_cumsum3A_220 = tpu.scan <sum>, %gather3A_217 masked %broadcast_in_dim3A_219 : vector<16xf32>, vector<16xi1> -> vector<16xf32>
      %add3A_221 = arith.addf %gather3A_213, %masked_cumsum3A_220 : vector<16xf32>
      %swap3A_222 = arith.constant 65 : index
      %swap3A_223 = tpu.vector_load %arg13[%swap3A_222] {strides = array<i32>} : memref<528xf32, #tpu.memory_space<vmem>>, vector<16xf32>,
      tpu.vector_store %arg13[%swap3A_222], %add3A_221 {strides = array<i32>} : memref<528xf32, #tpu.memory_space<vmem>>, vector<16xf32>,
      %broadcast_in_dim3A_224 = vector.shape_cast %broadcast_in_dim3A_44 : vector<16xi32> to vector<16x1xi32>
      %gather3A_225 = vector.shape_cast %broadcast_in_dim3A_224 : vector<16x1xi32> to vector<16xi32>
      %gather3A_226 = tpu.dynamic_gather %add3A_221[%gather3A_225] in [0] : vector<16xf32>, vector<16xi32> -> vector<16xf32>
      %add3A_227 = arith.constant 80 : i32
      %add3A_228 = vector.broadcast %add3A_227 : i32 to vector<16xi32>
      %add3A_229 = arith.addi %iota3A, %add3A_228 : vector<16xi32>
      %gather3A_230 = tpu.vector_load_idx %arg8[%add3A_229, %broadcast_in_dim3A_32] : memref<512x128xf32, #tpu.memory_space<vmem>>[vector<16xi32>, vector<16xi32>], vector<16xf32>,
      %broadcast_in_dim3A_231 = arith.constant true
      %broadcast_in_dim3A_232 = vector.broadcast %broadcast_in_dim3A_231 : i1 to vector<16xi1>
      %masked_cumsum3A_233 = tpu.scan <sum>, %gather3A_230 masked %broadcast_in_dim3A_232 : vector<16xf32>, vector<16xi1> -> vector<16xf32>
      %add3A_234 = arith.addf %gather3A_226, %masked_cumsum3A_233 : vector<16xf32>
      %swap3A_235 = arith.constant 81 : index
      %swap3A_236 = tpu.vector_load %arg13[%swap3A_235] {strides = array<i32>} : memref<528xf32, #tpu.memory_space<vmem>>, vector<16xf32>,
      tpu.vector_store %arg13[%swap3A_235], %add3A_234 {strides = array<i32>} : memref<528xf32, #tpu.memory_space<vmem>>, vector<16xf32>,
      %broadcast_in_dim3A_237 = vector.shape_cast %broadcast_in_dim3A_44 : vector<16xi32> to vector<16x1xi32>
      %gather3A_238 = vector.shape_cast %broadcast_in_dim3A_237 : vector<16x1xi32> to vector<16xi32>
      %gather3A_239 = tpu.dynamic_gather %add3A_234[%gather3A_238] in [0] : vector<16xf32>, vector<16xi32> -> vector<16xf32>
      %add3A_240 = arith.constant 96 : i32
      %add3A_241 = vector.broadcast %add3A_240 : i32 to vector<16xi32>
      %add3A_242 = arith.addi %iota3A, %add3A_241 : vector<16xi32>
      %gather3A_243 = tpu.vector_load_idx %arg8[%add3A_242, %broadcast_in_dim3A_32] : memref<512x128xf32, #tpu.memory_space<vmem>>[vector<16xi32>, vector<16xi32>], vector<16xf32>,
      %broadcast_in_dim3A_244 = arith.constant true
      %broadcast_in_dim3A_245 = vector.broadcast %broadcast_in_dim3A_244 : i1 to vector<16xi1>
      %masked_cumsum3A_246 = tpu.scan <sum>, %gather3A_243 masked %broadcast_in_dim3A_245 : vector<16xf32>, vector<16xi1> -> vector<16xf32>
      %add3A_247 = arith.addf %gather3A_239, %masked_cumsum3A_246 : vector<16xf32>
      %swap3A_248 = arith.constant 97 : index
      %swap3A_249 = tpu.vector_load %arg13[%swap3A_248] {strides = array<i32>} : memref<528xf32, #tpu.memory_space<vmem>>, vector<16xf32>,
      tpu.vector_store %arg13[%swap3A_248], %add3A_247 {strides = array<i32>} : memref<528xf32, #tpu.memory_space<vmem>>, vector<16xf32>,
      %broadcast_in_dim3A_250 = vector.shape_cast %broadcast_in_dim3A_44 : vector<16xi32> to vector<16x1xi32>
      %gather3A_251 = vector.shape_cast %broadcast_in_dim3A_250 : vector<16x1xi32> to vector<16xi32>
      %gather3A_252 = tpu.dynamic_gather %add3A_247[%gather3A_251] in [0] : vector<16xf32>, vector<16xi32> -> vector<16xf32>
      %add3A_253 = arith.constant 112 : i32
      %add3A_254 = vector.broadcast %add3A_253 : i32 to vector<16xi32>
      %add3A_255 = arith.addi %iota3A, %add3A_254 : vector<16xi32>
      %gather3A_256 = tpu.vector_load_idx %arg8[%add3A_255, %broadcast_in_dim3A_32] : memref<512x128xf32, #tpu.memory_space<vmem>>[vector<16xi32>, vector<16xi32>], vector<16xf32>,
      %broadcast_in_dim3A_257 = arith.constant true
      %broadcast_in_dim3A_258 = vector.broadcast %broadcast_in_dim3A_257 : i1 to vector<16xi1>
      %masked_cumsum3A_259 = tpu.scan <sum>, %gather3A_256 masked %broadcast_in_dim3A_258 : vector<16xf32>, vector<16xi1> -> vector<16xf32>
      %add3A_260 = arith.addf %gather3A_252, %masked_cumsum3A_259 : vector<16xf32>
      %swap3A_261 = arith.constant 113 : index
      %swap3A_262 = tpu.vector_load %arg13[%swap3A_261] {strides = array<i32>} : memref<528xf32, #tpu.memory_space<vmem>>, vector<16xf32>,
      tpu.vector_store %arg13[%swap3A_261], %add3A_260 {strides = array<i32>} : memref<528xf32, #tpu.memory_space<vmem>>, vector<16xf32>,
      %broadcast_in_dim3A_263 = vector.shape_cast %broadcast_in_dim3A_44 : vector<16xi32> to vector<16x1xi32>
      %gather3A_264 = vector.shape_cast %broadcast_in_dim3A_263 : vector<16x1xi32> to vector<16xi32>
      %gather3A_265 = tpu.dynamic_gather %add3A_260[%gather3A_264] in [0] : vector<16xf32>, vector<16xi32> -> vector<16xf32>
      %add3A_266 = arith.constant 128 : i32
      %add3A_267 = vector.broadcast %add3A_266 : i32 to vector<16xi32>
      %add3A_268 = arith.addi %iota3A, %add3A_267 : vector<16xi32>
      %gather3A_269 = tpu.vector_load_idx %arg8[%add3A_268, %broadcast_in_dim3A_32] : memref<512x128xf32, #tpu.memory_space<vmem>>[vector<16xi32>, vector<16xi32>], vector<16xf32>,
      %broadcast_in_dim3A_270 = arith.constant true
      %broadcast_in_dim3A_271 = vector.broadcast %broadcast_in_dim3A_270 : i1 to vector<16xi1>
      %masked_cumsum3A_272 = tpu.scan <sum>, %gather3A_269 masked %broadcast_in_dim3A_271 : vector<16xf32>, vector<16xi1> -> vector<16xf32>
      %add3A_273 = arith.addf %gather3A_265, %masked_cumsum3A_272 : vector<16xf32>
      %swap3A_274 = arith.constant 129 : index
      %swap3A_275 = tpu.vector_load %arg13[%swap3A_274] {strides = array<i32>} : memref<528xf32, #tpu.memory_space<vmem>>, vector<16xf32>,
      tpu.vector_store %arg13[%swap3A_274], %add3A_273 {strides = array<i32>} : memref<528xf32, #tpu.memory_space<vmem>>, vector<16xf32>,
      %broadcast_in_dim3A_276 = vector.shape_cast %broadcast_in_dim3A_44 : vector<16xi32> to vector<16x1xi32>
      %gather3A_277 = vector.shape_cast %broadcast_in_dim3A_276 : vector<16x1xi32> to vector<16xi32>
      %gather3A_278 = tpu.dynamic_gather %add3A_273[%gather3A_277] in [0] : vector<16xf32>, vector<16xi32> -> vector<16xf32>
      %add3A_279 = arith.constant 144 : i32
      %add3A_280 = vector.broadcast %add3A_279 : i32 to vector<16xi32>
      %add3A_281 = arith.addi %iota3A, %add3A_280 : vector<16xi32>
      %gather3A_282 = tpu.vector_load_idx %arg8[%add3A_281, %broadcast_in_dim3A_32] : memref<512x128xf32, #tpu.memory_space<vmem>>[vector<16xi32>, vector<16xi32>], vector<16xf32>,
      %broadcast_in_dim3A_283 = arith.constant true
      %broadcast_in_dim3A_284 = vector.broadcast %broadcast_in_dim3A_283 : i1 to vector<16xi1>
      %masked_cumsum3A_285 = tpu.scan <sum>, %gather3A_282 masked %broadcast_in_dim3A_284 : vector<16xf32>, vector<16xi1> -> vector<16xf32>
      %add3A_286 = arith.addf %gather3A_278, %masked_cumsum3A_285 : vector<16xf32>
      %swap3A_287 = arith.constant 145 : index
      %swap3A_288 = tpu.vector_load %arg13[%swap3A_287] {strides = array<i32>} : memref<528xf32, #tpu.memory_space<vmem>>, vector<16xf32>,
      tpu.vector_store %arg13[%swap3A_287], %add3A_286 {strides = array<i32>} : memref<528xf32, #tpu.memory_space<vmem>>, vector<16xf32>,
      %broadcast_in_dim3A_289 = vector.shape_cast %broadcast_in_dim3A_44 : vector<16xi32> to vector<16x1xi32>
      %gather3A_290 = vector.shape_cast %broadcast_in_dim3A_289 : vector<16x1xi32> to vector<16xi32>
      %gather3A_291 = tpu.dynamic_gather %add3A_286[%gather3A_290] in [0] : vector<16xf32>, vector<16xi32> -> vector<16xf32>
      %add3A_292 = arith.constant 160 : i32
      %add3A_293 = vector.broadcast %add3A_292 : i32 to vector<16xi32>
      %add3A_294 = arith.addi %iota3A, %add3A_293 : vector<16xi32>
      %gather3A_295 = tpu.vector_load_idx %arg8[%add3A_294, %broadcast_in_dim3A_32] : memref<512x128xf32, #tpu.memory_space<vmem>>[vector<16xi32>, vector<16xi32>], vector<16xf32>,
      %broadcast_in_dim3A_296 = arith.constant true
      %broadcast_in_dim3A_297 = vector.broadcast %broadcast_in_dim3A_296 : i1 to vector<16xi1>
      %masked_cumsum3A_298 = tpu.scan <sum>, %gather3A_295 masked %broadcast_in_dim3A_297 : vector<16xf32>, vector<16xi1> -> vector<16xf32>
      %add3A_299 = arith.addf %gather3A_291, %masked_cumsum3A_298 : vector<16xf32>
      %swap3A_300 = arith.constant 161 : index
      %swap3A_301 = tpu.vector_load %arg13[%swap3A_300] {strides = array<i32>} : memref<528xf32, #tpu.memory_space<vmem>>, vector<16xf32>,
      tpu.vector_store %arg13[%swap3A_300], %add3A_299 {strides = array<i32>} : memref<528xf32, #tpu.memory_space<vmem>>, vector<16xf32>,
      %broadcast_in_dim3A_302 = vector.shape_cast %broadcast_in_dim3A_44 : vector<16xi32> to vector<16x1xi32>
      %gather3A_303 = vector.shape_cast %broadcast_in_dim3A_302 : vector<16x1xi32> to vector<16xi32>
      %gather3A_304 = tpu.dynamic_gather %add3A_299[%gather3A_303] in [0] : vector<16xf32>, vector<16xi32> -> vector<16xf32>
      %add3A_305 = arith.constant 176 : i32
      %add3A_306 = vector.broadcast %add3A_305 : i32 to vector<16xi32>
      %add3A_307 = arith.addi %iota3A, %add3A_306 : vector<16xi32>
      %gather3A_308 = tpu.vector_load_idx %arg8[%add3A_307, %broadcast_in_dim3A_32] : memref<512x128xf32, #tpu.memory_space<vmem>>[vector<16xi32>, vector<16xi32>], vector<16xf32>,
      %broadcast_in_dim3A_309 = arith.constant true
      %broadcast_in_dim3A_310 = vector.broadcast %broadcast_in_dim3A_309 : i1 to vector<16xi1>
      %masked_cumsum3A_311 = tpu.scan <sum>, %gather3A_308 masked %broadcast_in_dim3A_310 : vector<16xf32>, vector<16xi1> -> vector<16xf32>
      %add3A_312 = arith.addf %gather3A_304, %masked_cumsum3A_311 : vector<16xf32>
      %swap3A_313 = arith.constant 177 : index
      %swap3A_314 = tpu.vector_load %arg13[%swap3A_313] {strides = array<i32>} : memref<528xf32, #tpu.memory_space<vmem>>, vector<16xf32>,
      tpu.vector_store %arg13[%swap3A_313], %add3A_312 {strides = array<i32>} : memref<528xf32, #tpu.memory_space<vmem>>, vector<16xf32>,
      %broadcast_in_dim3A_315 = vector.shape_cast %broadcast_in_dim3A_44 : vector<16xi32> to vector<16x1xi32>
      %gather3A_316 = vector.shape_cast %broadcast_in_dim3A_315 : vector<16x1xi32> to vector<16xi32>
      %gather3A_317 = tpu.dynamic_gather %add3A_312[%gather3A_316] in [0] : vector<16xf32>, vector<16xi32> -> vector<16xf32>
      %add3A_318 = arith.constant 192 : i32
      %add3A_319 = vector.broadcast %add3A_318 : i32 to vector<16xi32>
      %add3A_320 = arith.addi %iota3A, %add3A_319 : vector<16xi32>
      %gather3A_321 = tpu.vector_load_idx %arg8[%add3A_320, %broadcast_in_dim3A_32] : memref<512x128xf32, #tpu.memory_space<vmem>>[vector<16xi32>, vector<16xi32>], vector<16xf32>,
      %broadcast_in_dim3A_322 = arith.constant true
      %broadcast_in_dim3A_323 = vector.broadcast %broadcast_in_dim3A_322 : i1 to vector<16xi1>
      %masked_cumsum3A_324 = tpu.scan <sum>, %gather3A_321 masked %broadcast_in_dim3A_323 : vector<16xf32>, vector<16xi1> -> vector<16xf32>
      %add3A_325 = arith.addf %gather3A_317, %masked_cumsum3A_324 : vector<16xf32>
      %swap3A_326 = arith.constant 193 : index
      %swap3A_327 = tpu.vector_load %arg13[%swap3A_326] {strides = array<i32>} : memref<528xf32, #tpu.memory_space<vmem>>, vector<16xf32>,
      tpu.vector_store %arg13[%swap3A_326], %add3A_325 {strides = array<i32>} : memref<528xf32, #tpu.memory_space<vmem>>, vector<16xf32>,
      %broadcast_in_dim3A_328 = vector.shape_cast %broadcast_in_dim3A_44 : vector<16xi32> to vector<16x1xi32>
      %gather3A_329 = vector.shape_cast %broadcast_in_dim3A_328 : vector<16x1xi32> to vector<16xi32>
      %gather3A_330 = tpu.dynamic_gather %add3A_325[%gather3A_329] in [0] : vector<16xf32>, vector<16xi32> -> vector<16xf32>
      %add3A_331 = arith.constant 208 : i32
      %add3A_332 = vector.broadcast %add3A_331 : i32 to vector<16xi32>
      %add3A_333 = arith.addi %iota3A, %add3A_332 : vector<16xi32>
      %gather3A_334 = tpu.vector_load_idx %arg8[%add3A_333, %broadcast_in_dim3A_32] : memref<512x128xf32, #tpu.memory_space<vmem>>[vector<16xi32>, vector<16xi32>], vector<16xf32>,
      %broadcast_in_dim3A_335 = arith.constant true
      %broadcast_in_dim3A_336 = vector.broadcast %broadcast_in_dim3A_335 : i1 to vector<16xi1>
      %masked_cumsum3A_337 = tpu.scan <sum>, %gather3A_334 masked %broadcast_in_dim3A_336 : vector<16xf32>, vector<16xi1> -> vector<16xf32>
      %add3A_338 = arith.addf %gather3A_330, %masked_cumsum3A_337 : vector<16xf32>
      %swap3A_339 = arith.constant 209 : index
      %swap3A_340 = tpu.vector_load %arg13[%swap3A_339] {strides = array<i32>} : memref<528xf32, #tpu.memory_space<vmem>>, vector<16xf32>,
      tpu.vector_store %arg13[%swap3A_339], %add3A_338 {strides = array<i32>} : memref<528xf32, #tpu.memory_space<vmem>>, vector<16xf32>,
      %broadcast_in_dim3A_341 = vector.shape_cast %broadcast_in_dim3A_44 : vector<16xi32> to vector<16x1xi32>
      %gather3A_342 = vector.shape_cast %broadcast_in_dim3A_341 : vector<16x1xi32> to vector<16xi32>
      %gather3A_343 = tpu.dynamic_gather %add3A_338[%gather3A_342] in [0] : vector<16xf32>, vector<16xi32> -> vector<16xf32>
      %add3A_344 = arith.constant 224 : i32
      %add3A_345 = vector.broadcast %add3A_344 : i32 to vector<16xi32>
      %add3A_346 = arith.addi %iota3A, %add3A_345 : vector<16xi32>
      %gather3A_347 = tpu.vector_load_idx %arg8[%add3A_346, %broadcast_in_dim3A_32] : memref<512x128xf32, #tpu.memory_space<vmem>>[vector<16xi32>, vector<16xi32>], vector<16xf32>,
      %broadcast_in_dim3A_348 = arith.constant true
      %broadcast_in_dim3A_349 = vector.broadcast %broadcast_in_dim3A_348 : i1 to vector<16xi1>
      %masked_cumsum3A_350 = tpu.scan <sum>, %gather3A_347 masked %broadcast_in_dim3A_349 : vector<16xf32>, vector<16xi1> -> vector<16xf32>
      %add3A_351 = arith.addf %gather3A_343, %masked_cumsum3A_350 : vector<16xf32>
      %swap3A_352 = arith.constant 225 : index
      %swap3A_353 = tpu.vector_load %arg13[%swap3A_352] {strides = array<i32>} : memref<528xf32, #tpu.memory_space<vmem>>, vector<16xf32>,
      tpu.vector_store %arg13[%swap3A_352], %add3A_351 {strides = array<i32>} : memref<528xf32, #tpu.memory_space<vmem>>, vector<16xf32>,
      %broadcast_in_dim3A_354 = vector.shape_cast %broadcast_in_dim3A_44 : vector<16xi32> to vector<16x1xi32>
      %gather3A_355 = vector.shape_cast %broadcast_in_dim3A_354 : vector<16x1xi32> to vector<16xi32>
      %gather3A_356 = tpu.dynamic_gather %add3A_351[%gather3A_355] in [0] : vector<16xf32>, vector<16xi32> -> vector<16xf32>
      %add3A_357 = arith.constant 240 : i32
      %add3A_358 = vector.broadcast %add3A_357 : i32 to vector<16xi32>
      %add3A_359 = arith.addi %iota3A, %add3A_358 : vector<16xi32>
      %gather3A_360 = tpu.vector_load_idx %arg8[%add3A_359, %broadcast_in_dim3A_32] : memref<512x128xf32, #tpu.memory_space<vmem>>[vector<16xi32>, vector<16xi32>], vector<16xf32>,
      %broadcast_in_dim3A_361 = arith.constant true
      %broadcast_in_dim3A_362 = vector.broadcast %broadcast_in_dim3A_361 : i1 to vector<16xi1>
      %masked_cumsum3A_363 = tpu.scan <sum>, %gather3A_360 masked %broadcast_in_dim3A_362 : vector<16xf32>, vector<16xi1> -> vector<16xf32>
      %add3A_364 = arith.addf %gather3A_356, %masked_cumsum3A_363 : vector<16xf32>
      %swap3A_365 = arith.constant 241 : index
      %swap3A_366 = tpu.vector_load %arg13[%swap3A_365] {strides = array<i32>} : memref<528xf32, #tpu.memory_space<vmem>>, vector<16xf32>,
      tpu.vector_store %arg13[%swap3A_365], %add3A_364 {strides = array<i32>} : memref<528xf32, #tpu.memory_space<vmem>>, vector<16xf32>,
      %broadcast_in_dim3A_367 = vector.shape_cast %broadcast_in_dim3A_44 : vector<16xi32> to vector<16x1xi32>
      %gather3A_368 = vector.shape_cast %broadcast_in_dim3A_367 : vector<16x1xi32> to vector<16xi32>
      %gather3A_369 = tpu.dynamic_gather %add3A_364[%gather3A_368] in [0] : vector<16xf32>, vector<16xi32> -> vector<16xf32>
      %add3A_370 = arith.constant 256 : i32
      %add3A_371 = vector.broadcast %add3A_370 : i32 to vector<16xi32>
      %add3A_372 = arith.addi %iota3A, %add3A_371 : vector<16xi32>
      %gather3A_373 = tpu.vector_load_idx %arg8[%add3A_372, %broadcast_in_dim3A_32] : memref<512x128xf32, #tpu.memory_space<vmem>>[vector<16xi32>, vector<16xi32>], vector<16xf32>,
      %broadcast_in_dim3A_374 = arith.constant true
      %broadcast_in_dim3A_375 = vector.broadcast %broadcast_in_dim3A_374 : i1 to vector<16xi1>
      %masked_cumsum3A_376 = tpu.scan <sum>, %gather3A_373 masked %broadcast_in_dim3A_375 : vector<16xf32>, vector<16xi1> -> vector<16xf32>
      %add3A_377 = arith.addf %gather3A_369, %masked_cumsum3A_376 : vector<16xf32>
      %swap3A_378 = arith.constant 257 : index
      %swap3A_379 = tpu.vector_load %arg13[%swap3A_378] {strides = array<i32>} : memref<528xf32, #tpu.memory_space<vmem>>, vector<16xf32>,
      tpu.vector_store %arg13[%swap3A_378], %add3A_377 {strides = array<i32>} : memref<528xf32, #tpu.memory_space<vmem>>, vector<16xf32>,
      %broadcast_in_dim3A_380 = vector.shape_cast %broadcast_in_dim3A_44 : vector<16xi32> to vector<16x1xi32>
      %gather3A_381 = vector.shape_cast %broadcast_in_dim3A_380 : vector<16x1xi32> to vector<16xi32>
      %gather3A_382 = tpu.dynamic_gather %add3A_377[%gather3A_381] in [0] : vector<16xf32>, vector<16xi32> -> vector<16xf32>
      %add3A_383 = arith.constant 272 : i32
      %add3A_384 = vector.broadcast %add3A_383 : i32 to vector<16xi32>
      %add3A_385 = arith.addi %iota3A, %add3A_384 : vector<16xi32>
      %gather3A_386 = tpu.vector_load_idx %arg8[%add3A_385, %broadcast_in_dim3A_32] : memref<512x128xf32, #tpu.memory_space<vmem>>[vector<16xi32>, vector<16xi32>], vector<16xf32>,
      %broadcast_in_dim3A_387 = arith.constant true
      %broadcast_in_dim3A_388 = vector.broadcast %broadcast_in_dim3A_387 : i1 to vector<16xi1>
      %masked_cumsum3A_389 = tpu.scan <sum>, %gather3A_386 masked %broadcast_in_dim3A_388 : vector<16xf32>, vector<16xi1> -> vector<16xf32>
      %add3A_390 = arith.addf %gather3A_382, %masked_cumsum3A_389 : vector<16xf32>
      %swap3A_391 = arith.constant 273 : index
      %swap3A_392 = tpu.vector_load %arg13[%swap3A_391] {strides = array<i32>} : memref<528xf32, #tpu.memory_space<vmem>>, vector<16xf32>,
      tpu.vector_store %arg13[%swap3A_391], %add3A_390 {strides = array<i32>} : memref<528xf32, #tpu.memory_space<vmem>>, vector<16xf32>,
      %broadcast_in_dim3A_393 = vector.shape_cast %broadcast_in_dim3A_44 : vector<16xi32> to vector<16x1xi32>
      %gather3A_394 = vector.shape_cast %broadcast_in_dim3A_393 : vector<16x1xi32> to vector<16xi32>
      %gather3A_395 = tpu.dynamic_gather %add3A_390[%gather3A_394] in [0] : vector<16xf32>, vector<16xi32> -> vector<16xf32>
      %add3A_396 = arith.constant 288 : i32
      %add3A_397 = vector.broadcast %add3A_396 : i32 to vector<16xi32>
      %add3A_398 = arith.addi %iota3A, %add3A_397 : vector<16xi32>
      %gather3A_399 = tpu.vector_load_idx %arg8[%add3A_398, %broadcast_in_dim3A_32] : memref<512x128xf32, #tpu.memory_space<vmem>>[vector<16xi32>, vector<16xi32>], vector<16xf32>,
      %broadcast_in_dim3A_400 = arith.constant true
      %broadcast_in_dim3A_401 = vector.broadcast %broadcast_in_dim3A_400 : i1 to vector<16xi1>
      %masked_cumsum3A_402 = tpu.scan <sum>, %gather3A_399 masked %broadcast_in_dim3A_401 : vector<16xf32>, vector<16xi1> -> vector<16xf32>
      %add3A_403 = arith.addf %gather3A_395, %masked_cumsum3A_402 : vector<16xf32>
      %swap3A_404 = arith.constant 289 : index
      %swap3A_405 = tpu.vector_load %arg13[%swap3A_404] {strides = array<i32>} : memref<528xf32, #tpu.memory_space<vmem>>, vector<16xf32>,
      tpu.vector_store %arg13[%swap3A_404], %add3A_403 {strides = array<i32>} : memref<528xf32, #tpu.memory_space<vmem>>, vector<16xf32>,
      %broadcast_in_dim3A_406 = vector.shape_cast %broadcast_in_dim3A_44 : vector<16xi32> to vector<16x1xi32>
      %gather3A_407 = vector.shape_cast %broadcast_in_dim3A_406 : vector<16x1xi32> to vector<16xi32>
      %gather3A_408 = tpu.dynamic_gather %add3A_403[%gather3A_407] in [0] : vector<16xf32>, vector<16xi32> -> vector<16xf32>
      %add3A_409 = arith.constant 304 : i32
      %add3A_410 = vector.broadcast %add3A_409 : i32 to vector<16xi32>
      %add3A_411 = arith.addi %iota3A, %add3A_410 : vector<16xi32>
      %gather3A_412 = tpu.vector_load_idx %arg8[%add3A_411, %broadcast_in_dim3A_32] : memref<512x128xf32, #tpu.memory_space<vmem>>[vector<16xi32>, vector<16xi32>], vector<16xf32>,
      %broadcast_in_dim3A_413 = arith.constant true
      %broadcast_in_dim3A_414 = vector.broadcast %broadcast_in_dim3A_413 : i1 to vector<16xi1>
      %masked_cumsum3A_415 = tpu.scan <sum>, %gather3A_412 masked %broadcast_in_dim3A_414 : vector<16xf32>, vector<16xi1> -> vector<16xf32>
      %add3A_416 = arith.addf %gather3A_408, %masked_cumsum3A_415 : vector<16xf32>
      %swap3A_417 = arith.constant 305 : index
      %swap3A_418 = tpu.vector_load %arg13[%swap3A_417] {strides = array<i32>} : memref<528xf32, #tpu.memory_space<vmem>>, vector<16xf32>,
      tpu.vector_store %arg13[%swap3A_417], %add3A_416 {strides = array<i32>} : memref<528xf32, #tpu.memory_space<vmem>>, vector<16xf32>,
      %broadcast_in_dim3A_419 = vector.shape_cast %broadcast_in_dim3A_44 : vector<16xi32> to vector<16x1xi32>
      %gather3A_420 = vector.shape_cast %broadcast_in_dim3A_419 : vector<16x1xi32> to vector<16xi32>
      %gather3A_421 = tpu.dynamic_gather %add3A_416[%gather3A_420] in [0] : vector<16xf32>, vector<16xi32> -> vector<16xf32>
      %add3A_422 = arith.constant 320 : i32
      %add3A_423 = vector.broadcast %add3A_422 : i32 to vector<16xi32>
      %add3A_424 = arith.addi %iota3A, %add3A_423 : vector<16xi32>
      %gather3A_425 = tpu.vector_load_idx %arg8[%add3A_424, %broadcast_in_dim3A_32] : memref<512x128xf32, #tpu.memory_space<vmem>>[vector<16xi32>, vector<16xi32>], vector<16xf32>,
      %broadcast_in_dim3A_426 = arith.constant true
      %broadcast_in_dim3A_427 = vector.broadcast %broadcast_in_dim3A_426 : i1 to vector<16xi1>
      %masked_cumsum3A_428 = tpu.scan <sum>, %gather3A_425 masked %broadcast_in_dim3A_427 : vector<16xf32>, vector<16xi1> -> vector<16xf32>
      %add3A_429 = arith.addf %gather3A_421, %masked_cumsum3A_428 : vector<16xf32>
      %swap3A_430 = arith.constant 321 : index
      %swap3A_431 = tpu.vector_load %arg13[%swap3A_430] {strides = array<i32>} : memref<528xf32, #tpu.memory_space<vmem>>, vector<16xf32>,
      tpu.vector_store %arg13[%swap3A_430], %add3A_429 {strides = array<i32>} : memref<528xf32, #tpu.memory_space<vmem>>, vector<16xf32>,
      %broadcast_in_dim3A_432 = vector.shape_cast %broadcast_in_dim3A_44 : vector<16xi32> to vector<16x1xi32>
      %gather3A_433 = vector.shape_cast %broadcast_in_dim3A_432 : vector<16x1xi32> to vector<16xi32>
      %gather3A_434 = tpu.dynamic_gather %add3A_429[%gather3A_433] in [0] : vector<16xf32>, vector<16xi32> -> vector<16xf32>
      %add3A_435 = arith.constant 336 : i32
      %add3A_436 = vector.broadcast %add3A_435 : i32 to vector<16xi32>
      %add3A_437 = arith.addi %iota3A, %add3A_436 : vector<16xi32>
      %gather3A_438 = tpu.vector_load_idx %arg8[%add3A_437, %broadcast_in_dim3A_32] : memref<512x128xf32, #tpu.memory_space<vmem>>[vector<16xi32>, vector<16xi32>], vector<16xf32>,
      %broadcast_in_dim3A_439 = arith.constant true
      %broadcast_in_dim3A_440 = vector.broadcast %broadcast_in_dim3A_439 : i1 to vector<16xi1>
      %masked_cumsum3A_441 = tpu.scan <sum>, %gather3A_438 masked %broadcast_in_dim3A_440 : vector<16xf32>, vector<16xi1> -> vector<16xf32>
      %add3A_442 = arith.addf %gather3A_434, %masked_cumsum3A_441 : vector<16xf32>
      %swap3A_443 = arith.constant 337 : index
      %swap3A_444 = tpu.vector_load %arg13[%swap3A_443] {strides = array<i32>} : memref<528xf32, #tpu.memory_space<vmem>>, vector<16xf32>,
      tpu.vector_store %arg13[%swap3A_443], %add3A_442 {strides = array<i32>} : memref<528xf32, #tpu.memory_space<vmem>>, vector<16xf32>,
      %broadcast_in_dim3A_445 = vector.shape_cast %broadcast_in_dim3A_44 : vector<16xi32> to vector<16x1xi32>
      %gather3A_446 = vector.shape_cast %broadcast_in_dim3A_445 : vector<16x1xi32> to vector<16xi32>
      %gather3A_447 = tpu.dynamic_gather %add3A_442[%gather3A_446] in [0] : vector<16xf32>, vector<16xi32> -> vector<16xf32>
      %add3A_448 = arith.constant 352 : i32
      %add3A_449 = vector.broadcast %add3A_448 : i32 to vector<16xi32>
      %add3A_450 = arith.addi %iota3A, %add3A_449 : vector<16xi32>
      %gather3A_451 = tpu.vector_load_idx %arg8[%add3A_450, %broadcast_in_dim3A_32] : memref<512x128xf32, #tpu.memory_space<vmem>>[vector<16xi32>, vector<16xi32>], vector<16xf32>,
      %broadcast_in_dim3A_452 = arith.constant true
      %broadcast_in_dim3A_453 = vector.broadcast %broadcast_in_dim3A_452 : i1 to vector<16xi1>
      %masked_cumsum3A_454 = tpu.scan <sum>, %gather3A_451 masked %broadcast_in_dim3A_453 : vector<16xf32>, vector<16xi1> -> vector<16xf32>
      %add3A_455 = arith.addf %gather3A_447, %masked_cumsum3A_454 : vector<16xf32>
      %swap3A_456 = arith.constant 353 : index
      %swap3A_457 = tpu.vector_load %arg13[%swap3A_456] {strides = array<i32>} : memref<528xf32, #tpu.memory_space<vmem>>, vector<16xf32>,
      tpu.vector_store %arg13[%swap3A_456], %add3A_455 {strides = array<i32>} : memref<528xf32, #tpu.memory_space<vmem>>, vector<16xf32>,
      %broadcast_in_dim3A_458 = vector.shape_cast %broadcast_in_dim3A_44 : vector<16xi32> to vector<16x1xi32>
      %gather3A_459 = vector.shape_cast %broadcast_in_dim3A_458 : vector<16x1xi32> to vector<16xi32>
      %gather3A_460 = tpu.dynamic_gather %add3A_455[%gather3A_459] in [0] : vector<16xf32>, vector<16xi32> -> vector<16xf32>
      %add3A_461 = arith.constant 368 : i32
      %add3A_462 = vector.broadcast %add3A_461 : i32 to vector<16xi32>
      %add3A_463 = arith.addi %iota3A, %add3A_462 : vector<16xi32>
      %gather3A_464 = tpu.vector_load_idx %arg8[%add3A_463, %broadcast_in_dim3A_32] : memref<512x128xf32, #tpu.memory_space<vmem>>[vector<16xi32>, vector<16xi32>], vector<16xf32>,
      %broadcast_in_dim3A_465 = arith.constant true
      %broadcast_in_dim3A_466 = vector.broadcast %broadcast_in_dim3A_465 : i1 to vector<16xi1>
      %masked_cumsum3A_467 = tpu.scan <sum>, %gather3A_464 masked %broadcast_in_dim3A_466 : vector<16xf32>, vector<16xi1> -> vector<16xf32>
      %add3A_468 = arith.addf %gather3A_460, %masked_cumsum3A_467 : vector<16xf32>
      %swap3A_469 = arith.constant 369 : index
      %swap3A_470 = tpu.vector_load %arg13[%swap3A_469] {strides = array<i32>} : memref<528xf32, #tpu.memory_space<vmem>>, vector<16xf32>,
      tpu.vector_store %arg13[%swap3A_469], %add3A_468 {strides = array<i32>} : memref<528xf32, #tpu.memory_space<vmem>>, vector<16xf32>,
      %broadcast_in_dim3A_471 = vector.shape_cast %broadcast_in_dim3A_44 : vector<16xi32> to vector<16x1xi32>
      %gather3A_472 = vector.shape_cast %broadcast_in_dim3A_471 : vector<16x1xi32> to vector<16xi32>
      %gather3A_473 = tpu.dynamic_gather %add3A_468[%gather3A_472] in [0] : vector<16xf32>, vector<16xi32> -> vector<16xf32>
      %add3A_474 = arith.constant 384 : i32
      %add3A_475 = vector.broadcast %add3A_474 : i32 to vector<16xi32>
      %add3A_476 = arith.addi %iota3A, %add3A_475 : vector<16xi32>
      %gather3A_477 = tpu.vector_load_idx %arg8[%add3A_476, %broadcast_in_dim3A_32] : memref<512x128xf32, #tpu.memory_space<vmem>>[vector<16xi32>, vector<16xi32>], vector<16xf32>,
      %broadcast_in_dim3A_478 = arith.constant true
      %broadcast_in_dim3A_479 = vector.broadcast %broadcast_in_dim3A_478 : i1 to vector<16xi1>
      %masked_cumsum3A_480 = tpu.scan <sum>, %gather3A_477 masked %broadcast_in_dim3A_479 : vector<16xf32>, vector<16xi1> -> vector<16xf32>
      %add3A_481 = arith.addf %gather3A_473, %masked_cumsum3A_480 : vector<16xf32>
      %swap3A_482 = arith.constant 385 : index
      %swap3A_483 = tpu.vector_load %arg13[%swap3A_482] {strides = array<i32>} : memref<528xf32, #tpu.memory_space<vmem>>, vector<16xf32>,
      tpu.vector_store %arg13[%swap3A_482], %add3A_481 {strides = array<i32>} : memref<528xf32, #tpu.memory_space<vmem>>, vector<16xf32>,
      %broadcast_in_dim3A_484 = vector.shape_cast %broadcast_in_dim3A_44 : vector<16xi32> to vector<16x1xi32>
      %gather3A_485 = vector.shape_cast %broadcast_in_dim3A_484 : vector<16x1xi32> to vector<16xi32>
      %gather3A_486 = tpu.dynamic_gather %add3A_481[%gather3A_485] in [0] : vector<16xf32>, vector<16xi32> -> vector<16xf32>
      %add3A_487 = arith.constant 400 : i32
      %add3A_488 = vector.broadcast %add3A_487 : i32 to vector<16xi32>
      %add3A_489 = arith.addi %iota3A, %add3A_488 : vector<16xi32>
      %gather3A_490 = tpu.vector_load_idx %arg8[%add3A_489, %broadcast_in_dim3A_32] : memref<512x128xf32, #tpu.memory_space<vmem>>[vector<16xi32>, vector<16xi32>], vector<16xf32>,
      %broadcast_in_dim3A_491 = arith.constant true
      %broadcast_in_dim3A_492 = vector.broadcast %broadcast_in_dim3A_491 : i1 to vector<16xi1>
      %masked_cumsum3A_493 = tpu.scan <sum>, %gather3A_490 masked %broadcast_in_dim3A_492 : vector<16xf32>, vector<16xi1> -> vector<16xf32>
      %add3A_494 = arith.addf %gather3A_486, %masked_cumsum3A_493 : vector<16xf32>
      %swap3A_495 = arith.constant 401 : index
      %swap3A_496 = tpu.vector_load %arg13[%swap3A_495] {strides = array<i32>} : memref<528xf32, #tpu.memory_space<vmem>>, vector<16xf32>,
      tpu.vector_store %arg13[%swap3A_495], %add3A_494 {strides = array<i32>} : memref<528xf32, #tpu.memory_space<vmem>>, vector<16xf32>,
      %broadcast_in_dim3A_497 = vector.shape_cast %broadcast_in_dim3A_44 : vector<16xi32> to vector<16x1xi32>
      %gather3A_498 = vector.shape_cast %broadcast_in_dim3A_497 : vector<16x1xi32> to vector<16xi32>
      %gather3A_499 = tpu.dynamic_gather %add3A_494[%gather3A_498] in [0] : vector<16xf32>, vector<16xi32> -> vector<16xf32>
      %add3A_500 = arith.constant 416 : i32
      %add3A_501 = vector.broadcast %add3A_500 : i32 to vector<16xi32>
      %add3A_502 = arith.addi %iota3A, %add3A_501 : vector<16xi32>
      %gather3A_503 = tpu.vector_load_idx %arg8[%add3A_502, %broadcast_in_dim3A_32] : memref<512x128xf32, #tpu.memory_space<vmem>>[vector<16xi32>, vector<16xi32>], vector<16xf32>,
      %broadcast_in_dim3A_504 = arith.constant true
      %broadcast_in_dim3A_505 = vector.broadcast %broadcast_in_dim3A_504 : i1 to vector<16xi1>
      %masked_cumsum3A_506 = tpu.scan <sum>, %gather3A_503 masked %broadcast_in_dim3A_505 : vector<16xf32>, vector<16xi1> -> vector<16xf32>
      %add3A_507 = arith.addf %gather3A_499, %masked_cumsum3A_506 : vector<16xf32>
      %swap3A_508 = arith.constant 417 : index
      %swap3A_509 = tpu.vector_load %arg13[%swap3A_508] {strides = array<i32>} : memref<528xf32, #tpu.memory_space<vmem>>, vector<16xf32>,
      tpu.vector_store %arg13[%swap3A_508], %add3A_507 {strides = array<i32>} : memref<528xf32, #tpu.memory_space<vmem>>, vector<16xf32>,
      %broadcast_in_dim3A_510 = vector.shape_cast %broadcast_in_dim3A_44 : vector<16xi32> to vector<16x1xi32>
      %gather3A_511 = vector.shape_cast %broadcast_in_dim3A_510 : vector<16x1xi32> to vector<16xi32>
      %gather3A_512 = tpu.dynamic_gather %add3A_507[%gather3A_511] in [0] : vector<16xf32>, vector<16xi32> -> vector<16xf32>
      %add3A_513 = arith.constant 432 : i32
      %add3A_514 = vector.broadcast %add3A_513 : i32 to vector<16xi32>
      %add3A_515 = arith.addi %iota3A, %add3A_514 : vector<16xi32>
      %gather3A_516 = tpu.vector_load_idx %arg8[%add3A_515, %broadcast_in_dim3A_32] : memref<512x128xf32, #tpu.memory_space<vmem>>[vector<16xi32>, vector<16xi32>], vector<16xf32>,
      %broadcast_in_dim3A_517 = arith.constant true
      %broadcast_in_dim3A_518 = vector.broadcast %broadcast_in_dim3A_517 : i1 to vector<16xi1>
      %masked_cumsum3A_519 = tpu.scan <sum>, %gather3A_516 masked %broadcast_in_dim3A_518 : vector<16xf32>, vector<16xi1> -> vector<16xf32>
      %add3A_520 = arith.addf %gather3A_512, %masked_cumsum3A_519 : vector<16xf32>
      %swap3A_521 = arith.constant 433 : index
      %swap3A_522 = tpu.vector_load %arg13[%swap3A_521] {strides = array<i32>} : memref<528xf32, #tpu.memory_space<vmem>>, vector<16xf32>,
      tpu.vector_store %arg13[%swap3A_521], %add3A_520 {strides = array<i32>} : memref<528xf32, #tpu.memory_space<vmem>>, vector<16xf32>,
      %broadcast_in_dim3A_523 = vector.shape_cast %broadcast_in_dim3A_44 : vector<16xi32> to vector<16x1xi32>
      %gather3A_524 = vector.shape_cast %broadcast_in_dim3A_523 : vector<16x1xi32> to vector<16xi32>
      %gather3A_525 = tpu.dynamic_gather %add3A_520[%gather3A_524] in [0] : vector<16xf32>, vector<16xi32> -> vector<16xf32>
      %add3A_526 = arith.constant 448 : i32
      %add3A_527 = vector.broadcast %add3A_526 : i32 to vector<16xi32>
      %add3A_528 = arith.addi %iota3A, %add3A_527 : vector<16xi32>
      %gather3A_529 = tpu.vector_load_idx %arg8[%add3A_528, %broadcast_in_dim3A_32] : memref<512x128xf32, #tpu.memory_space<vmem>>[vector<16xi32>, vector<16xi32>], vector<16xf32>,
      %broadcast_in_dim3A_530 = arith.constant true
      %broadcast_in_dim3A_531 = vector.broadcast %broadcast_in_dim3A_530 : i1 to vector<16xi1>
      %masked_cumsum3A_532 = tpu.scan <sum>, %gather3A_529 masked %broadcast_in_dim3A_531 : vector<16xf32>, vector<16xi1> -> vector<16xf32>
      %add3A_533 = arith.addf %gather3A_525, %masked_cumsum3A_532 : vector<16xf32>
      %swap3A_534 = arith.constant 449 : index
      %swap3A_535 = tpu.vector_load %arg13[%swap3A_534] {strides = array<i32>} : memref<528xf32, #tpu.memory_space<vmem>>, vector<16xf32>,
      tpu.vector_store %arg13[%swap3A_534], %add3A_533 {strides = array<i32>} : memref<528xf32, #tpu.memory_space<vmem>>, vector<16xf32>,
      %broadcast_in_dim3A_536 = vector.shape_cast %broadcast_in_dim3A_44 : vector<16xi32> to vector<16x1xi32>
      %gather3A_537 = vector.shape_cast %broadcast_in_dim3A_536 : vector<16x1xi32> to vector<16xi32>
      %gather3A_538 = tpu.dynamic_gather %add3A_533[%gather3A_537] in [0] : vector<16xf32>, vector<16xi32> -> vector<16xf32>
      %add3A_539 = arith.constant 464 : i32
      %add3A_540 = vector.broadcast %add3A_539 : i32 to vector<16xi32>
      %add3A_541 = arith.addi %iota3A, %add3A_540 : vector<16xi32>
      %gather3A_542 = tpu.vector_load_idx %arg8[%add3A_541, %broadcast_in_dim3A_32] : memref<512x128xf32, #tpu.memory_space<vmem>>[vector<16xi32>, vector<16xi32>], vector<16xf32>,
      %broadcast_in_dim3A_543 = arith.constant true
      %broadcast_in_dim3A_544 = vector.broadcast %broadcast_in_dim3A_543 : i1 to vector<16xi1>
      %masked_cumsum3A_545 = tpu.scan <sum>, %gather3A_542 masked %broadcast_in_dim3A_544 : vector<16xf32>, vector<16xi1> -> vector<16xf32>
      %add3A_546 = arith.addf %gather3A_538, %masked_cumsum3A_545 : vector<16xf32>
      %swap3A_547 = arith.constant 465 : index
      %swap3A_548 = tpu.vector_load %arg13[%swap3A_547] {strides = array<i32>} : memref<528xf32, #tpu.memory_space<vmem>>, vector<16xf32>,
      tpu.vector_store %arg13[%swap3A_547], %add3A_546 {strides = array<i32>} : memref<528xf32, #tpu.memory_space<vmem>>, vector<16xf32>,
      %broadcast_in_dim3A_549 = vector.shape_cast %broadcast_in_dim3A_44 : vector<16xi32> to vector<16x1xi32>
      %gather3A_550 = vector.shape_cast %broadcast_in_dim3A_549 : vector<16x1xi32> to vector<16xi32>
      %gather3A_551 = tpu.dynamic_gather %add3A_546[%gather3A_550] in [0] : vector<16xf32>, vector<16xi32> -> vector<16xf32>
      %add3A_552 = arith.constant 480 : i32
      %add3A_553 = vector.broadcast %add3A_552 : i32 to vector<16xi32>
      %add3A_554 = arith.addi %iota3A, %add3A_553 : vector<16xi32>
      %gather3A_555 = tpu.vector_load_idx %arg8[%add3A_554, %broadcast_in_dim3A_32] : memref<512x128xf32, #tpu.memory_space<vmem>>[vector<16xi32>, vector<16xi32>], vector<16xf32>,
      %broadcast_in_dim3A_556 = arith.constant true
      %broadcast_in_dim3A_557 = vector.broadcast %broadcast_in_dim3A_556 : i1 to vector<16xi1>
      %masked_cumsum3A_558 = tpu.scan <sum>, %gather3A_555 masked %broadcast_in_dim3A_557 : vector<16xf32>, vector<16xi1> -> vector<16xf32>
      %add3A_559 = arith.addf %gather3A_551, %masked_cumsum3A_558 : vector<16xf32>
      %swap3A_560 = arith.constant 481 : index
      %swap3A_561 = tpu.vector_load %arg13[%swap3A_560] {strides = array<i32>} : memref<528xf32, #tpu.memory_space<vmem>>, vector<16xf32>,
      tpu.vector_store %arg13[%swap3A_560], %add3A_559 {strides = array<i32>} : memref<528xf32, #tpu.memory_space<vmem>>, vector<16xf32>,
      %broadcast_in_dim3A_562 = vector.shape_cast %broadcast_in_dim3A_44 : vector<16xi32> to vector<16x1xi32>
      %gather3A_563 = vector.shape_cast %broadcast_in_dim3A_562 : vector<16x1xi32> to vector<16xi32>
      %gather3A_564 = tpu.dynamic_gather %add3A_559[%gather3A_563] in [0] : vector<16xf32>, vector<16xi32> -> vector<16xf32>
      %add3A_565 = arith.constant 496 : i32
      %add3A_566 = vector.broadcast %add3A_565 : i32 to vector<16xi32>
      %add3A_567 = arith.addi %iota3A, %add3A_566 : vector<16xi32>
      %gather3A_568 = tpu.vector_load_idx %arg8[%add3A_567, %broadcast_in_dim3A_32] : memref<512x128xf32, #tpu.memory_space<vmem>>[vector<16xi32>, vector<16xi32>], vector<16xf32>,
      %broadcast_in_dim3A_569 = arith.constant true
      %broadcast_in_dim3A_570 = vector.broadcast %broadcast_in_dim3A_569 : i1 to vector<16xi1>
      %masked_cumsum3A_571 = tpu.scan <sum>, %gather3A_568 masked %broadcast_in_dim3A_570 : vector<16xf32>, vector<16xi1> -> vector<16xf32>
      %add3A_572 = arith.addf %gather3A_564, %masked_cumsum3A_571 : vector<16xf32>
      %swap3A_573 = arith.constant 497 : index
      %swap3A_574 = tpu.vector_load %arg13[%swap3A_573] {strides = array<i32>} : memref<528xf32, #tpu.memory_space<vmem>>, vector<16xf32>,
      tpu.vector_store %arg13[%swap3A_573], %add3A_572 {strides = array<i32>} : memref<528xf32, #tpu.memory_space<vmem>>, vector<16xf32>,
      %broadcast_in_dim3A_575 = vector.shape_cast %broadcast_in_dim3A_44 : vector<16xi32> to vector<16x1xi32>
      %gather3A_576 = vector.shape_cast %broadcast_in_dim3A_575 : vector<16x1xi32> to vector<16xi32>
      %gather3A_577 = tpu.dynamic_gather %add3A_572[%gather3A_576] in [0] : vector<16xf32>, vector<16xi32> -> vector<16xf32>
      %swap3A_578 = arith.constant 0 : index
      %swap3A_579 = tpu.vector_load %arg14[%swap3A_578] {strides = array<i32>} : memref<80xf32, #tpu.memory_space<vmem>>, vector<16xf32>,
      tpu.vector_store %arg14[%swap3A_578], %broadcast_in_dim3A_34 {strides = array<i32>} : memref<80xf32, #tpu.memory_space<vmem>>, vector<16xf32>,
      %swap3A_580 = arith.constant 64 : index
      %swap3A_581 = tpu.vector_load %arg14[%swap3A_580] {strides = array<i32>} : memref<80xf32, #tpu.memory_space<vmem>>, vector<16xf32>,
      tpu.vector_store %arg14[%swap3A_580], %broadcast_in_dim3A_34 {strides = array<i32>} : memref<80xf32, #tpu.memory_space<vmem>>, vector<16xf32>,
      %add3A_582 = arith.constant 0 : i32
      %add3A_583 = vector.broadcast %add3A_582 : i32 to vector<16xi32>
      %add3A_584 = arith.addi %iota3A, %add3A_583 : vector<16xi32>
      %gather3A_585 = tpu.vector_load_idx %arg10[%add3A_584] : memref<64xi32, #tpu.memory_space<vmem>>[vector<16xi32>], vector<16xi32>,
      %gather3A_586 = tpu.vector_load_idx %arg9[%add3A_584, %gather3A_585] : memref<65x128xf32, #tpu.memory_space<vmem>>[vector<16xi32>, vector<16xi32>], vector<16xf32>,
      %broadcast_in_dim3A_587 = arith.constant true
      %broadcast_in_dim3A_588 = vector.broadcast %broadcast_in_dim3A_587 : i1 to vector<16xi1>
      %masked_cumsum3A_589 = tpu.scan <sum>, %gather3A_586 masked %broadcast_in_dim3A_588 : vector<16xf32>, vector<16xi1> -> vector<16xf32>
      %add3A_590 = arith.addf %broadcast_in_dim3A_34, %masked_cumsum3A_589 : vector<16xf32>
      %swap3A_591 = arith.constant 1 : index
      %swap3A_592 = tpu.vector_load %arg14[%swap3A_591] {strides = array<i32>} : memref<80xf32, #tpu.memory_space<vmem>>, vector<16xf32>,
      tpu.vector_store %arg14[%swap3A_591], %add3A_590 {strides = array<i32>} : memref<80xf32, #tpu.memory_space<vmem>>, vector<16xf32>,
      %broadcast_in_dim3A_593 = vector.shape_cast %broadcast_in_dim3A_44 : vector<16xi32> to vector<16x1xi32>
      %gather3A_594 = vector.shape_cast %broadcast_in_dim3A_593 : vector<16x1xi32> to vector<16xi32>
      %gather3A_595 = tpu.dynamic_gather %add3A_590[%gather3A_594] in [0] : vector<16xf32>, vector<16xi32> -> vector<16xf32>
      %add3A_596 = arith.constant 16 : i32
      %add3A_597 = vector.broadcast %add3A_596 : i32 to vector<16xi32>
      %add3A_598 = arith.addi %iota3A, %add3A_597 : vector<16xi32>
      %gather3A_599 = tpu.vector_load_idx %arg10[%add3A_598] : memref<64xi32, #tpu.memory_space<vmem>>[vector<16xi32>], vector<16xi32>,
      %gather3A_600 = tpu.vector_load_idx %arg9[%add3A_598, %gather3A_599] : memref<65x128xf32, #tpu.memory_space<vmem>>[vector<16xi32>, vector<16xi32>], vector<16xf32>,
      %broadcast_in_dim3A_601 = arith.constant true
      %broadcast_in_dim3A_602 = vector.broadcast %broadcast_in_dim3A_601 : i1 to vector<16xi1>
      %masked_cumsum3A_603 = tpu.scan <sum>, %gather3A_600 masked %broadcast_in_dim3A_602 : vector<16xf32>, vector<16xi1> -> vector<16xf32>
      %add3A_604 = arith.addf %gather3A_595, %masked_cumsum3A_603 : vector<16xf32>
      %swap3A_605 = arith.constant 17 : index
      %swap3A_606 = tpu.vector_load %arg14[%swap3A_605] {strides = array<i32>} : memref<80xf32, #tpu.memory_space<vmem>>, vector<16xf32>,
      tpu.vector_store %arg14[%swap3A_605], %add3A_604 {strides = array<i32>} : memref<80xf32, #tpu.memory_space<vmem>>, vector<16xf32>,
      %broadcast_in_dim3A_607 = vector.shape_cast %broadcast_in_dim3A_44 : vector<16xi32> to vector<16x1xi32>
      %gather3A_608 = vector.shape_cast %broadcast_in_dim3A_607 : vector<16x1xi32> to vector<16xi32>
      %gather3A_609 = tpu.dynamic_gather %add3A_604[%gather3A_608] in [0] : vector<16xf32>, vector<16xi32> -> vector<16xf32>
      %add3A_610 = arith.constant 32 : i32
      %add3A_611 = vector.broadcast %add3A_610 : i32 to vector<16xi32>
      %add3A_612 = arith.addi %iota3A, %add3A_611 : vector<16xi32>
      %gather3A_613 = tpu.vector_load_idx %arg10[%add3A_612] : memref<64xi32, #tpu.memory_space<vmem>>[vector<16xi32>], vector<16xi32>,
      %gather3A_614 = tpu.vector_load_idx %arg9[%add3A_612, %gather3A_613] : memref<65x128xf32, #tpu.memory_space<vmem>>[vector<16xi32>, vector<16xi32>], vector<16xf32>,
      %broadcast_in_dim3A_615 = arith.constant true
      %broadcast_in_dim3A_616 = vector.broadcast %broadcast_in_dim3A_615 : i1 to vector<16xi1>
      %masked_cumsum3A_617 = tpu.scan <sum>, %gather3A_614 masked %broadcast_in_dim3A_616 : vector<16xf32>, vector<16xi1> -> vector<16xf32>
      %add3A_618 = arith.addf %gather3A_609, %masked_cumsum3A_617 : vector<16xf32>
      %swap3A_619 = arith.constant 33 : index
      %swap3A_620 = tpu.vector_load %arg14[%swap3A_619] {strides = array<i32>} : memref<80xf32, #tpu.memory_space<vmem>>, vector<16xf32>,
      tpu.vector_store %arg14[%swap3A_619], %add3A_618 {strides = array<i32>} : memref<80xf32, #tpu.memory_space<vmem>>, vector<16xf32>,
      %broadcast_in_dim3A_621 = vector.shape_cast %broadcast_in_dim3A_44 : vector<16xi32> to vector<16x1xi32>
      %gather3A_622 = vector.shape_cast %broadcast_in_dim3A_621 : vector<16x1xi32> to vector<16xi32>
      %gather3A_623 = tpu.dynamic_gather %add3A_618[%gather3A_622] in [0] : vector<16xf32>, vector<16xi32> -> vector<16xf32>
      %add3A_624 = arith.constant 48 : i32
      %add3A_625 = vector.broadcast %add3A_624 : i32 to vector<16xi32>
      %add3A_626 = arith.addi %iota3A, %add3A_625 : vector<16xi32>
      %gather3A_627 = tpu.vector_load_idx %arg10[%add3A_626] : memref<64xi32, #tpu.memory_space<vmem>>[vector<16xi32>], vector<16xi32>,
      %gather3A_628 = tpu.vector_load_idx %arg9[%add3A_626, %gather3A_627] : memref<65x128xf32, #tpu.memory_space<vmem>>[vector<16xi32>, vector<16xi32>], vector<16xf32>,
      %broadcast_in_dim3A_629 = arith.constant true
      %broadcast_in_dim3A_630 = vector.broadcast %broadcast_in_dim3A_629 : i1 to vector<16xi1>
      %masked_cumsum3A_631 = tpu.scan <sum>, %gather3A_628 masked %broadcast_in_dim3A_630 : vector<16xf32>, vector<16xi1> -> vector<16xf32>
      %add3A_632 = arith.addf %gather3A_623, %masked_cumsum3A_631 : vector<16xf32>
      %swap3A_633 = arith.constant 49 : index
      %swap3A_634 = tpu.vector_load %arg14[%swap3A_633] {strides = array<i32>} : memref<80xf32, #tpu.memory_space<vmem>>, vector<16xf32>,
      tpu.vector_store %arg14[%swap3A_633], %add3A_632 {strides = array<i32>} : memref<80xf32, #tpu.memory_space<vmem>>, vector<16xf32>,
      %broadcast_in_dim3A_635 = vector.shape_cast %broadcast_in_dim3A_44 : vector<16xi32> to vector<16x1xi32>
      %gather3A_636 = vector.shape_cast %broadcast_in_dim3A_635 : vector<16x1xi32> to vector<16xi32>
      %gather3A_637 = tpu.dynamic_gather %add3A_632[%gather3A_636] in [0] : vector<16xf32>, vector<16xi32> -> vector<16xf32>
      %mul3A_638 = arith.constant 5 : i32
      %mul3A_639 = vector.broadcast %mul3A_638 : i32 to vector<16xi32>
      %mul3A_640 = arith.muli %iota3A, %mul3A_639 : vector<16xi32>
      %add3A_641 = arith.constant 0 : i32
      %add3A_642 = vector.broadcast %add3A_641 : i32 to vector<16xi32>
      %add3A_643 = arith.addi %mul3A_640, %add3A_642 : vector<16xi32>
      %sub3A_644 = arith.constant 1 : i32
      %sub3A_645 = vector.broadcast %sub3A_644 : i32 to vector<16xi32>
      %sub3A_646 = arith.subi %add3A_643, %sub3A_645 : vector<16xi32>
      %jit3A = arith.constant 0 : i32
      %jit3A_647 = arith.constant 63 : i32
      %max3A_648 = vector.broadcast %jit3A : i32 to vector<16xi32>
      %max3A_649 = arith.maxsi %max3A_648, %sub3A_646 : vector<16xi32>
      %min3A = vector.broadcast %jit3A_647 : i32 to vector<16xi32>
      %min3A_650 = arith.minsi %min3A, %max3A_649 : vector<16xi32>
      %gather3A_651 = tpu.vector_load_idx %arg10[%min3A_650] : memref<64xi32, #tpu.memory_space<vmem>>[vector<16xi32>], vector<16xi32>,
      %min3A_652 = arith.constant 64 : i32
      %min3A_653 = vector.broadcast %min3A_652 : i32 to vector<16xi32>
      %min3A_654 = arith.minsi %add3A_643, %min3A_653 : vector<16xi32>
      %gather3A_655 = tpu.vector_load_idx %arg9[%min3A_654, %broadcast_in_dim3A_32] : memref<65x128xf32, #tpu.memory_space<vmem>>[vector<16xi32>, vector<16xi32>], vector<16xf32>,
      %mul3A_656 = arith.constant 5 : i32
      %mul3A_657 = vector.broadcast %mul3A_656 : i32 to vector<16xi32>
      %mul3A_658 = arith.muli %iota3A, %mul3A_657 : vector<16xi32>
      %add3A_659 = arith.constant 1 : i32
      %add3A_660 = vector.broadcast %add3A_659 : i32 to vector<16xi32>
      %add3A_661 = arith.addi %mul3A_658, %add3A_660 : vector<16xi32>
      %sub3A_662 = arith.constant 1 : i32
      %sub3A_663 = vector.broadcast %sub3A_662 : i32 to vector<16xi32>
      %sub3A_664 = arith.subi %add3A_661, %sub3A_663 : vector<16xi32>
      %jit3A_665 = arith.constant 0 : i32
      %jit3A_666 = arith.constant 63 : i32
      %max3A_667 = vector.broadcast %jit3A_665 : i32 to vector<16xi32>
      %max3A_668 = arith.maxsi %max3A_667, %sub3A_664 : vector<16xi32>
      %min3A_669 = vector.broadcast %jit3A_666 : i32 to vector<16xi32>
      %min3A_670 = arith.minsi %min3A_669, %max3A_668 : vector<16xi32>
      %gather3A_671 = tpu.vector_load_idx %arg10[%min3A_670] : memref<64xi32, #tpu.memory_space<vmem>>[vector<16xi32>], vector<16xi32>,
      %min3A_672 = arith.constant 64 : i32
      %min3A_673 = vector.broadcast %min3A_672 : i32 to vector<16xi32>
      %min3A_674 = arith.minsi %add3A_661, %min3A_673 : vector<16xi32>
      %gather3A_675 = tpu.vector_load_idx %arg9[%min3A_674, %broadcast_in_dim3A_32] : memref<65x128xf32, #tpu.memory_space<vmem>>[vector<16xi32>, vector<16xi32>], vector<16xf32>,
      %mul3A_676 = arith.constant 5 : i32
      %mul3A_677 = vector.broadcast %mul3A_676 : i32 to vector<16xi32>
      %mul3A_678 = arith.muli %iota3A, %mul3A_677 : vector<16xi32>
      %add3A_679 = arith.constant 2 : i32
      %add3A_680 = vector.broadcast %add3A_679 : i32 to vector<16xi32>
      %add3A_681 = arith.addi %mul3A_678, %add3A_680 : vector<16xi32>
      %sub3A_682 = arith.constant 1 : i32
      %sub3A_683 = vector.broadcast %sub3A_682 : i32 to vector<16xi32>
      %sub3A_684 = arith.subi %add3A_681, %sub3A_683 : vector<16xi32>
      %jit3A_685 = arith.constant 0 : i32
      %jit3A_686 = arith.constant 63 : i32
      %max3A_687 = vector.broadcast %jit3A_685 : i32 to vector<16xi32>
      %max3A_688 = arith.maxsi %max3A_687, %sub3A_684 : vector<16xi32>
      %min3A_689 = vector.broadcast %jit3A_686 : i32 to vector<16xi32>
      %min3A_690 = arith.minsi %min3A_689, %max3A_688 : vector<16xi32>
      %gather3A_691 = tpu.vector_load_idx %arg10[%min3A_690] : memref<64xi32, #tpu.memory_space<vmem>>[vector<16xi32>], vector<16xi32>,
      %min3A_692 = arith.constant 64 : i32
      %min3A_693 = vector.broadcast %min3A_692 : i32 to vector<16xi32>
      %min3A_694 = arith.minsi %add3A_681, %min3A_693 : vector<16xi32>
      %gather3A_695 = tpu.vector_load_idx %arg9[%min3A_694, %broadcast_in_dim3A_32] : memref<65x128xf32, #tpu.memory_space<vmem>>[vector<16xi32>, vector<16xi32>], vector<16xf32>,
      %mul3A_696 = arith.constant 5 : i32
      %mul3A_697 = vector.broadcast %mul3A_696 : i32 to vector<16xi32>
      %mul3A_698 = arith.muli %iota3A, %mul3A_697 : vector<16xi32>
      %add3A_699 = arith.constant 3 : i32
      %add3A_700 = vector.broadcast %add3A_699 : i32 to vector<16xi32>
      %add3A_701 = arith.addi %mul3A_698, %add3A_700 : vector<16xi32>
      %sub3A_702 = arith.constant 1 : i32
      %sub3A_703 = vector.broadcast %sub3A_702 : i32 to vector<16xi32>
      %sub3A_704 = arith.subi %add3A_701, %sub3A_703 : vector<16xi32>
      %jit3A_705 = arith.constant 0 : i32
      %jit3A_706 = arith.constant 63 : i32
      %max3A_707 = vector.broadcast %jit3A_705 : i32 to vector<16xi32>
      %max3A_708 = arith.maxsi %max3A_707, %sub3A_704 : vector<16xi32>
      %min3A_709 = vector.broadcast %jit3A_706 : i32 to vector<16xi32>
      %min3A_710 = arith.minsi %min3A_709, %max3A_708 : vector<16xi32>
      %gather3A_711 = tpu.vector_load_idx %arg10[%min3A_710] : memref<64xi32, #tpu.memory_space<vmem>>[vector<16xi32>], vector<16xi32>,
      %min3A_712 = arith.constant 64 : i32
      %min3A_713 = vector.broadcast %min3A_712 : i32 to vector<16xi32>
      %min3A_714 = arith.minsi %add3A_701, %min3A_713 : vector<16xi32>
      %gather3A_715 = tpu.vector_load_idx %arg9[%min3A_714, %broadcast_in_dim3A_32] : memref<65x128xf32, #tpu.memory_space<vmem>>[vector<16xi32>, vector<16xi32>], vector<16xf32>,
      %mul3A_716 = arith.constant 5 : i32
      %mul3A_717 = vector.broadcast %mul3A_716 : i32 to vector<16xi32>
      %mul3A_718 = arith.muli %iota3A, %mul3A_717 : vector<16xi32>
      %add3A_719 = arith.constant 4 : i32
      %add3A_720 = vector.broadcast %add3A_719 : i32 to vector<16xi32>
      %add3A_721 = arith.addi %mul3A_718, %add3A_720 : vector<16xi32>
      %sub3A_722 = arith.constant 1 : i32
      %sub3A_723 = vector.broadcast %sub3A_722 : i32 to vector<16xi32>
      %sub3A_724 = arith.subi %add3A_721, %sub3A_723 : vector<16xi32>
      %jit3A_725 = arith.constant 0 : i32
      %jit3A_726 = arith.constant 63 : i32
      %max3A_727 = vector.broadcast %jit3A_725 : i32 to vector<16xi32>
      %max3A_728 = arith.maxsi %max3A_727, %sub3A_724 : vector<16xi32>
      %min3A_729 = vector.broadcast %jit3A_726 : i32 to vector<16xi32>
      %min3A_730 = arith.minsi %min3A_729, %max3A_728 : vector<16xi32>
      %gather3A_731 = tpu.vector_load_idx %arg10[%min3A_730] : memref<64xi32, #tpu.memory_space<vmem>>[vector<16xi32>], vector<16xi32>,
      %min3A_732 = arith.constant 64 : i32
      %min3A_733 = vector.broadcast %min3A_732 : i32 to vector<16xi32>
      %min3A_734 = arith.minsi %add3A_721, %min3A_733 : vector<16xi32>
      %gather3A_735 = tpu.vector_load_idx %arg9[%min3A_734, %broadcast_in_dim3A_32] : memref<65x128xf32, #tpu.memory_space<vmem>>[vector<16xi32>, vector<16xi32>], vector<16xf32>,
      %eq3A_736 = arith.constant 0 : i32
      %eq3A_737 = vector.broadcast %eq3A_736 : i32 to vector<16xi32>
      %eq3A_738 = arith.cmpi eq, %iota3A, %eq3A_737 : vector<16xi32>
      %jit3A_739 = arith.constant 0.000000e+00 : f32
      %jit3A_740 = arith.constant -1.000000e+30 : f32
      %broadcast_in_dim3A_741 = vector.broadcast %jit3A_739 : f32 to vector<16xf32>
      %broadcast_in_dim3A_742 = vector.broadcast %jit3A_740 : f32 to vector<16xf32>
      %select_n3A = arith.select %eq3A_738, %broadcast_in_dim3A_741, %broadcast_in_dim3A_742 : vector<16xi1>, vector<16xf32>
      %scan3A_743 = arith.constant 0 : i32
      %scan3A_744 = arith.constant 287 : i32
      %scan3A_745 = arith.addi %scan3A_743, %scan3A_744 : i32
      %scan3A_746 = arith.constant 1 : i32
      %scan3A_747:5 = scf.for %scan3A_903 = %scan3A_743 to %scan3A_745 step %scan3A_746 iter_args(%scan3A_904 = %select_n3A, %scan3A_905 = %broadcast_in_dim3A_36, %scan3A_906 = %broadcast_in_dim3A_36, %scan3A_907 = %broadcast_in_dim3A_36, %scan3A_908 = %broadcast_in_dim3A_36) -> (vector<16xf32>, vector<16xf32>, vector<16xf32>, vector<16xf32>, vector<16xf32>)  : i32 {
        %mul3A_909 = arith.constant 2 : i32
        %mul3A_910 = arith.muli %mul3A_909, %scan3A_903 : i32
        %add3A_911 = arith.constant 1 : i32
        %add3A_912 = arith.addi %mul3A_910, %add3A_911 : i32
        %mul3A_913 = arith.constant 80 : i32
        %mul3A_914 = arith.muli %add3A_912, %mul3A_913 : i32
        %sub3A_915 = vector.broadcast %add3A_912 : i32 to vector<16xi32>
        %sub3A_916 = arith.subi %sub3A_915, %add3A_643 : vector<16xi32>
        %jit3A_917 = arith.constant 0 : i32
        %jit3A_918 = arith.constant 511 : i32
        %max3A_919 = vector.broadcast %jit3A_917 : i32 to vector<16xi32>
        %max3A_920 = arith.maxsi %max3A_919, %sub3A_916 : vector<16xi32>
        %min3A_921 = vector.broadcast %jit3A_918 : i32 to vector<16xi32>
        %min3A_922 = arith.minsi %min3A_921, %max3A_920 : vector<16xi32>
        %sub3A_923 = vector.broadcast %add3A_912 : i32 to vector<16xi32>
        %sub3A_924 = arith.subi %sub3A_923, %add3A_661 : vector<16xi32>
        %jit3A_925 = arith.constant 0 : i32
        %jit3A_926 = arith.constant 511 : i32
        %max3A_927 = vector.broadcast %jit3A_925 : i32 to vector<16xi32>
        %max3A_928 = arith.maxsi %max3A_927, %sub3A_924 : vector<16xi32>
        %min3A_929 = vector.broadcast %jit3A_926 : i32 to vector<16xi32>
        %min3A_930 = arith.minsi %min3A_929, %max3A_928 : vector<16xi32>
        %sub3A_931 = vector.broadcast %add3A_912 : i32 to vector<16xi32>
        %sub3A_932 = arith.subi %sub3A_931, %add3A_681 : vector<16xi32>
        %jit3A_933 = arith.constant 0 : i32
        %jit3A_934 = arith.constant 511 : i32
        %max3A_935 = vector.broadcast %jit3A_933 : i32 to vector<16xi32>
        %max3A_936 = arith.maxsi %max3A_935, %sub3A_932 : vector<16xi32>
        %min3A_937 = vector.broadcast %jit3A_934 : i32 to vector<16xi32>
        %min3A_938 = arith.minsi %min3A_937, %max3A_936 : vector<16xi32>
        %sub3A_939 = vector.broadcast %add3A_912 : i32 to vector<16xi32>
        %sub3A_940 = arith.subi %sub3A_939, %add3A_701 : vector<16xi32>
        %jit3A_941 = arith.constant 0 : i32
        %jit3A_942 = arith.constant 511 : i32
        %max3A_943 = vector.broadcast %jit3A_941 : i32 to vector<16xi32>
        %max3A_944 = arith.maxsi %max3A_943, %sub3A_940 : vector<16xi32>
        %min3A_945 = vector.broadcast %jit3A_942 : i32 to vector<16xi32>
        %min3A_946 = arith.minsi %min3A_945, %max3A_944 : vector<16xi32>
        %sub3A_947 = vector.broadcast %add3A_912 : i32 to vector<16xi32>
        %sub3A_948 = arith.subi %sub3A_947, %add3A_721 : vector<16xi32>
        %jit3A_949 = arith.constant 0 : i32
        %jit3A_950 = arith.constant 511 : i32
        %max3A_951 = vector.broadcast %jit3A_949 : i32 to vector<16xi32>
        %max3A_952 = arith.maxsi %max3A_951, %sub3A_948 : vector<16xi32>
        %min3A_953 = vector.broadcast %jit3A_950 : i32 to vector<16xi32>
        %min3A_954 = arith.minsi %min3A_953, %max3A_952 : vector<16xi32>
        %gather3A_955 = tpu.vector_load_idx %arg8[%min3A_922, %gather3A_651] : memref<512x128xf32, #tpu.memory_space<vmem>>[vector<16xi32>, vector<16xi32>], vector<16xf32>,
        %gather3A_956 = tpu.vector_load_idx %arg8[%min3A_930, %gather3A_671] : memref<512x128xf32, #tpu.memory_space<vmem>>[vector<16xi32>, vector<16xi32>], vector<16xf32>,
        %gather3A_957 = tpu.vector_load_idx %arg8[%min3A_938, %gather3A_691] : memref<512x128xf32, #tpu.memory_space<vmem>>[vector<16xi32>, vector<16xi32>], vector<16xf32>,
        %gather3A_958 = tpu.vector_load_idx %arg8[%min3A_946, %gather3A_711] : memref<512x128xf32, #tpu.memory_space<vmem>>[vector<16xi32>, vector<16xi32>], vector<16xf32>,
        %gather3A_959 = tpu.vector_load_idx %arg8[%min3A_954, %gather3A_731] : memref<512x128xf32, #tpu.memory_space<vmem>>[vector<16xi32>, vector<16xi32>], vector<16xf32>,
        %broadcast_in_dim3A_960 = vector.shape_cast %max3A_40 : vector<16xi32> to vector<16x1xi32>
        %gather3A_961 = vector.shape_cast %broadcast_in_dim3A_960 : vector<16x1xi32> to vector<16xi32>
        %gather3A_962 = tpu.dynamic_gather %scan3A_908[%gather3A_961] in [0] : vector<16xf32>, vector<16xi32> -> vector<16xf32>
        %jit3A_963 = arith.constant -1.000000e+30 : f32
        %broadcast_in_dim3A_964 = vector.broadcast %jit3A_963 : f32 to vector<16xf32>
        %select_n3A_965 = arith.select %eq3A_42, %broadcast_in_dim3A_964, %gather3A_962 : vector<16xi1>, vector<16xf32>
        %add3A_966 = arith.addf %scan3A_904, %gather3A_655 : vector<16xf32>
        %add3A_967 = arith.addf %scan3A_905, %gather3A_675 : vector<16xf32>
        %add3A_968 = arith.addf %scan3A_906, %gather3A_695 : vector<16xf32>
        %add3A_969 = arith.addf %scan3A_907, %gather3A_715 : vector<16xf32>
        %add3A_970 = arith.addf %scan3A_908, %gather3A_735 : vector<16xf32>
        %add3A_971 = arith.addf %select_n3A_965, %gather3A_955 : vector<16xf32>
        %add3A_972 = arith.addf %scan3A_904, %gather3A_956 : vector<16xf32>
        %add3A_973 = arith.addf %scan3A_905, %gather3A_957 : vector<16xf32>
        %add3A_974 = arith.addf %scan3A_906, %gather3A_958 : vector<16xf32>
        %add3A_975 = arith.addf %scan3A_907, %gather3A_959 : vector<16xf32>
        %max3A_976 = arith.maximumf %add3A_966, %add3A_971 : vector<16xf32>
        %max3A_977 = arith.maximumf %add3A_967, %add3A_972 : vector<16xf32>
        %max3A_978 = arith.maximumf %add3A_968, %add3A_973 : vector<16xf32>
        %max3A_979 = arith.maximumf %add3A_969, %add3A_974 : vector<16xf32>
        %max3A_980 = arith.maximumf %add3A_970, %add3A_975 : vector<16xf32>
        %min3A_981 = arith.minimumf %add3A_966, %add3A_971 : vector<16xf32>
        %min3A_982 = arith.minimumf %add3A_967, %add3A_972 : vector<16xf32>
        %min3A_983 = arith.minimumf %add3A_968, %add3A_973 : vector<16xf32>
        %min3A_984 = arith.minimumf %add3A_969, %add3A_974 : vector<16xf32>
        %min3A_985 = arith.minimumf %add3A_970, %add3A_975 : vector<16xf32>
        %sub3A_986 = arith.subf %max3A_976, %min3A_981 : vector<16xf32>
        %mul3A_987 = arith.constant 2.560000e+02 : f32
        %mul3A_988 = vector.broadcast %mul3A_987 : f32 to vector<16xf32>
        %mul3A_989 = arith.mulf %sub3A_986, %mul3A_988 : vector<16xf32>
        %min3A_990 = arith.constant 4.095000e+03 : f32
        %min3A_991 = vector.broadcast %min3A_990 : f32 to vector<16xf32>
        %min3A_992 = arith.minimumf %mul3A_989, %min3A_991 : vector<16xf32>
        %sub3A_993 = arith.subf %max3A_977, %min3A_982 : vector<16xf32>
        %mul3A_994 = arith.constant 2.560000e+02 : f32
        %mul3A_995 = vector.broadcast %mul3A_994 : f32 to vector<16xf32>
        %mul3A_996 = arith.mulf %sub3A_993, %mul3A_995 : vector<16xf32>
        %min3A_997 = arith.constant 4.095000e+03 : f32
        %min3A_998 = vector.broadcast %min3A_997 : f32 to vector<16xf32>
        %min3A_999 = arith.minimumf %mul3A_996, %min3A_998 : vector<16xf32>
        %sub3A_1000 = arith.subf %max3A_978, %min3A_983 : vector<16xf32>
        %mul3A_1001 = arith.constant 2.560000e+02 : f32
        %mul3A_1002 = vector.broadcast %mul3A_1001 : f32 to vector<16xf32>
        %mul3A_1003 = arith.mulf %sub3A_1000, %mul3A_1002 : vector<16xf32>
        %min3A_1004 = arith.constant 4.095000e+03 : f32
        %min3A_1005 = vector.broadcast %min3A_1004 : f32 to vector<16xf32>
        %min3A_1006 = arith.minimumf %mul3A_1003, %min3A_1005 : vector<16xf32>
        %sub3A_1007 = arith.subf %max3A_979, %min3A_984 : vector<16xf32>
        %mul3A_1008 = arith.constant 2.560000e+02 : f32
        %mul3A_1009 = vector.broadcast %mul3A_1008 : f32 to vector<16xf32>
        %mul3A_1010 = arith.mulf %sub3A_1007, %mul3A_1009 : vector<16xf32>
        %min3A_1011 = arith.constant 4.095000e+03 : f32
        %min3A_1012 = vector.broadcast %min3A_1011 : f32 to vector<16xf32>
        %min3A_1013 = arith.minimumf %mul3A_1010, %min3A_1012 : vector<16xf32>
        %sub3A_1014 = arith.subf %max3A_980, %min3A_985 : vector<16xf32>
        %mul3A_1015 = arith.constant 2.560000e+02 : f32
        %mul3A_1016 = vector.broadcast %mul3A_1015 : f32 to vector<16xf32>
        %mul3A_1017 = arith.mulf %sub3A_1014, %mul3A_1016 : vector<16xf32>
        %min3A_1018 = arith.constant 4.095000e+03 : f32
        %min3A_1019 = vector.broadcast %min3A_1018 : f32 to vector<16xf32>
        %min3A_1020 = arith.minimumf %mul3A_1017, %min3A_1019 : vector<16xf32>
        %convert_element_type3A_1021 = arith.fptosi %min3A_992 : vector<16xf32> to vector<16xi32>
        %convert_element_type3A_1022 = arith.fptosi %min3A_999 : vector<16xf32> to vector<16xi32>
        %convert_element_type3A_1023 = arith.fptosi %min3A_1006 : vector<16xf32> to vector<16xi32>
        %convert_element_type3A_1024 = arith.fptosi %min3A_1013 : vector<16xf32> to vector<16xi32>
        %convert_element_type3A_1025 = arith.fptosi %min3A_1020 : vector<16xf32> to vector<16xi32>
        %gather3A_1026 = tpu.vector_load_idx %arg15[%convert_element_type3A_1021] : memref<4112xf32, #tpu.memory_space<vmem>>[vector<16xi32>], vector<16xf32>,
        %gather3A_1027 = tpu.vector_load_idx %arg15[%convert_element_type3A_1022] : memref<4112xf32, #tpu.memory_space<vmem>>[vector<16xi32>], vector<16xf32>,
        %gather3A_1028 = tpu.vector_load_idx %arg15[%convert_element_type3A_1023] : memref<4112xf32, #tpu.memory_space<vmem>>[vector<16xi32>], vector<16xf32>,
        %gather3A_1029 = tpu.vector_load_idx %arg15[%convert_element_type3A_1024] : memref<4112xf32, #tpu.memory_space<vmem>>[vector<16xi32>], vector<16xf32>,
        %gather3A_1030 = tpu.vector_load_idx %arg15[%convert_element_type3A_1025] : memref<4112xf32, #tpu.memory_space<vmem>>[vector<16xi32>], vector<16xf32>,
        %add3A_1031 = arith.addf %max3A_976, %gather3A_1026 : vector<16xf32>
        %add3A_1032 = arith.addf %max3A_977, %gather3A_1027 : vector<16xf32>
        %add3A_1033 = arith.addf %max3A_978, %gather3A_1028 : vector<16xf32>
        %add3A_1034 = arith.addf %max3A_979, %gather3A_1029 : vector<16xf32>
        %add3A_1035 = arith.addf %max3A_980, %gather3A_1030 : vector<16xf32>
        %add3A_1036 = arith.constant 0 : i32
        %add3A_1037 = arith.addi %mul3A_914, %add3A_1036 : i32
        %swap3A_1038 = arith.index_cast %add3A_1037 : i32 to index
        %swap3A_1039 = tpu.vector_load %arg16[%swap3A_1038] {strides = array<i32>} : memref<46080xf32, #tpu.memory_space<vmem>>, vector<16xf32>,
        tpu.vector_store %arg16[%swap3A_1038], %add3A_1031 {strides = array<i32>} : memref<46080xf32, #tpu.memory_space<vmem>>, vector<16xf32>,
        %add3A_1040 = arith.constant 16 : i32
        %add3A_1041 = arith.addi %mul3A_914, %add3A_1040 : i32
        %swap3A_1042 = arith.index_cast %add3A_1041 : i32 to index
        %swap3A_1043 = tpu.vector_load %arg16[%swap3A_1042] {strides = array<i32>} : memref<46080xf32, #tpu.memory_space<vmem>>, vector<16xf32>,
        tpu.vector_store %arg16[%swap3A_1042], %add3A_1032 {strides = array<i32>} : memref<46080xf32, #tpu.memory_space<vmem>>, vector<16xf32>,
        %add3A_1044 = arith.constant 32 : i32
        %add3A_1045 = arith.addi %mul3A_914, %add3A_1044 : i32
        %swap3A_1046 = arith.index_cast %add3A_1045 : i32 to index
        %swap3A_1047 = tpu.vector_load %arg16[%swap3A_1046] {strides = array<i32>} : memref<46080xf32, #tpu.memory_space<vmem>>, vector<16xf32>,
        tpu.vector_store %arg16[%swap3A_1046], %add3A_1033 {strides = array<i32>} : memref<46080xf32, #tpu.memory_space<vmem>>, vector<16xf32>,
        %add3A_1048 = arith.constant 48 : i32
        %add3A_1049 = arith.addi %mul3A_914, %add3A_1048 : i32
        %swap3A_1050 = arith.index_cast %add3A_1049 : i32 to index
        %swap3A_1051 = tpu.vector_load %arg16[%swap3A_1050] {strides = array<i32>} : memref<46080xf32, #tpu.memory_space<vmem>>, vector<16xf32>,
        tpu.vector_store %arg16[%swap3A_1050], %add3A_1034 {strides = array<i32>} : memref<46080xf32, #tpu.memory_space<vmem>>, vector<16xf32>,
        %add3A_1052 = arith.constant 64 : i32
        %add3A_1053 = arith.addi %mul3A_914, %add3A_1052 : i32
        %swap3A_1054 = arith.index_cast %add3A_1053 : i32 to index
        %swap3A_1055 = tpu.vector_load %arg16[%swap3A_1054] {strides = array<i32>} : memref<46080xf32, #tpu.memory_space<vmem>>, vector<16xf32>,
        tpu.vector_store %arg16[%swap3A_1054], %add3A_1035 {strides = array<i32>} : memref<46080xf32, #tpu.memory_space<vmem>>, vector<16xf32>,
        %add3A_1056 = arith.constant 1 : i32
        %add3A_1057 = arith.addi %add3A_912, %add3A_1056 : i32
        %mul3A_1058 = arith.constant 80 : i32
        %mul3A_1059 = arith.muli %add3A_1057, %mul3A_1058 : i32
        %sub3A_1060 = vector.broadcast %add3A_1057 : i32 to vector<16xi32>
        %sub3A_1061 = arith.subi %sub3A_1060, %add3A_643 : vector<16xi32>
        %jit3A_1062 = arith.constant 0 : i32
        %jit3A_1063 = arith.constant 511 : i32
        %max3A_1064 = vector.broadcast %jit3A_1062 : i32 to vector<16xi32>
        %max3A_1065 = arith.maxsi %max3A_1064, %sub3A_1061 : vector<16xi32>
        %min3A_1066 = vector.broadcast %jit3A_1063 : i32 to vector<16xi32>
        %min3A_1067 = arith.minsi %min3A_1066, %max3A_1065 : vector<16xi32>
        %sub3A_1068 = vector.broadcast %add3A_1057 : i32 to vector<16xi32>
        %sub3A_1069 = arith.subi %sub3A_1068, %add3A_661 : vector<16xi32>
        %jit3A_1070 = arith.constant 0 : i32
        %jit3A_1071 = arith.constant 511 : i32
        %max3A_1072 = vector.broadcast %jit3A_1070 : i32 to vector<16xi32>
        %max3A_1073 = arith.maxsi %max3A_1072, %sub3A_1069 : vector<16xi32>
        %min3A_1074 = vector.broadcast %jit3A_1071 : i32 to vector<16xi32>
        %min3A_1075 = arith.minsi %min3A_1074, %max3A_1073 : vector<16xi32>
        %sub3A_1076 = vector.broadcast %add3A_1057 : i32 to vector<16xi32>
        %sub3A_1077 = arith.subi %sub3A_1076, %add3A_681 : vector<16xi32>
        %jit3A_1078 = arith.constant 0 : i32
        %jit3A_1079 = arith.constant 511 : i32
        %max3A_1080 = vector.broadcast %jit3A_1078 : i32 to vector<16xi32>
        %max3A_1081 = arith.maxsi %max3A_1080, %sub3A_1077 : vector<16xi32>
        %min3A_1082 = vector.broadcast %jit3A_1079 : i32 to vector<16xi32>
        %min3A_1083 = arith.minsi %min3A_1082, %max3A_1081 : vector<16xi32>
        %sub3A_1084 = vector.broadcast %add3A_1057 : i32 to vector<16xi32>
        %sub3A_1085 = arith.subi %sub3A_1084, %add3A_701 : vector<16xi32>
        %jit3A_1086 = arith.constant 0 : i32
        %jit3A_1087 = arith.constant 511 : i32
        %max3A_1088 = vector.broadcast %jit3A_1086 : i32 to vector<16xi32>
        %max3A_1089 = arith.maxsi %max3A_1088, %sub3A_1085 : vector<16xi32>
        %min3A_1090 = vector.broadcast %jit3A_1087 : i32 to vector<16xi32>
        %min3A_1091 = arith.minsi %min3A_1090, %max3A_1089 : vector<16xi32>
        %sub3A_1092 = vector.broadcast %add3A_1057 : i32 to vector<16xi32>
        %sub3A_1093 = arith.subi %sub3A_1092, %add3A_721 : vector<16xi32>
        %jit3A_1094 = arith.constant 0 : i32
        %jit3A_1095 = arith.constant 511 : i32
        %max3A_1096 = vector.broadcast %jit3A_1094 : i32 to vector<16xi32>
        %max3A_1097 = arith.maxsi %max3A_1096, %sub3A_1093 : vector<16xi32>
        %min3A_1098 = vector.broadcast %jit3A_1095 : i32 to vector<16xi32>
        %min3A_1099 = arith.minsi %min3A_1098, %max3A_1097 : vector<16xi32>
        %gather3A_1100 = tpu.vector_load_idx %arg8[%min3A_1067, %gather3A_651] : memref<512x128xf32, #tpu.memory_space<vmem>>[vector<16xi32>, vector<16xi32>], vector<16xf32>,
        %gather3A_1101 = tpu.vector_load_idx %arg8[%min3A_1075, %gather3A_671] : memref<512x128xf32, #tpu.memory_space<vmem>>[vector<16xi32>, vector<16xi32>], vector<16xf32>,
        %gather3A_1102 = tpu.vector_load_idx %arg8[%min3A_1083, %gather3A_691] : memref<512x128xf32, #tpu.memory_space<vmem>>[vector<16xi32>, vector<16xi32>], vector<16xf32>,
        %gather3A_1103 = tpu.vector_load_idx %arg8[%min3A_1091, %gather3A_711] : memref<512x128xf32, #tpu.memory_space<vmem>>[vector<16xi32>, vector<16xi32>], vector<16xf32>,
        %gather3A_1104 = tpu.vector_load_idx %arg8[%min3A_1099, %gather3A_731] : memref<512x128xf32, #tpu.memory_space<vmem>>[vector<16xi32>, vector<16xi32>], vector<16xf32>,
        %broadcast_in_dim3A_1105 = vector.shape_cast %max3A_40 : vector<16xi32> to vector<16x1xi32>
        %gather3A_1106 = vector.shape_cast %broadcast_in_dim3A_1105 : vector<16x1xi32> to vector<16xi32>
        %gather3A_1107 = tpu.dynamic_gather %add3A_1035[%gather3A_1106] in [0] : vector<16xf32>, vector<16xi32> -> vector<16xf32>
        %jit3A_1108 = arith.constant -1.000000e+30 : f32
        %broadcast_in_dim3A_1109 = vector.broadcast %jit3A_1108 : f32 to vector<16xf32>
        %select_n3A_1110 = arith.select %eq3A_42, %broadcast_in_dim3A_1109, %gather3A_1107 : vector<16xi1>, vector<16xf32>
        %add3A_1111 = arith.addf %add3A_1031, %gather3A_655 : vector<16xf32>
        %add3A_1112 = arith.addf %add3A_1032, %gather3A_675 : vector<16xf32>
        %add3A_1113 = arith.addf %add3A_1033, %gather3A_695 : vector<16xf32>
        %add3A_1114 = arith.addf %add3A_1034, %gather3A_715 : vector<16xf32>
        %add3A_1115 = arith.addf %add3A_1035, %gather3A_735 : vector<16xf32>
        %add3A_1116 = arith.addf %select_n3A_1110, %gather3A_1100 : vector<16xf32>
        %add3A_1117 = arith.addf %add3A_1031, %gather3A_1101 : vector<16xf32>
        %add3A_1118 = arith.addf %add3A_1032, %gather3A_1102 : vector<16xf32>
        %add3A_1119 = arith.addf %add3A_1033, %gather3A_1103 : vector<16xf32>
        %add3A_1120 = arith.addf %add3A_1034, %gather3A_1104 : vector<16xf32>
        %max3A_1121 = arith.maximumf %add3A_1111, %add3A_1116 : vector<16xf32>
        %max3A_1122 = arith.maximumf %add3A_1112, %add3A_1117 : vector<16xf32>
        %max3A_1123 = arith.maximumf %add3A_1113, %add3A_1118 : vector<16xf32>
        %max3A_1124 = arith.maximumf %add3A_1114, %add3A_1119 : vector<16xf32>
        %max3A_1125 = arith.maximumf %add3A_1115, %add3A_1120 : vector<16xf32>
        %min3A_1126 = arith.minimumf %add3A_1111, %add3A_1116 : vector<16xf32>
        %min3A_1127 = arith.minimumf %add3A_1112, %add3A_1117 : vector<16xf32>
        %min3A_1128 = arith.minimumf %add3A_1113, %add3A_1118 : vector<16xf32>
        %min3A_1129 = arith.minimumf %add3A_1114, %add3A_1119 : vector<16xf32>
        %min3A_1130 = arith.minimumf %add3A_1115, %add3A_1120 : vector<16xf32>
        %sub3A_1131 = arith.subf %max3A_1121, %min3A_1126 : vector<16xf32>
        %mul3A_1132 = arith.constant 2.560000e+02 : f32
        %mul3A_1133 = vector.broadcast %mul3A_1132 : f32 to vector<16xf32>
        %mul3A_1134 = arith.mulf %sub3A_1131, %mul3A_1133 : vector<16xf32>
        %min3A_1135 = arith.constant 4.095000e+03 : f32
        %min3A_1136 = vector.broadcast %min3A_1135 : f32 to vector<16xf32>
        %min3A_1137 = arith.minimumf %mul3A_1134, %min3A_1136 : vector<16xf32>
        %sub3A_1138 = arith.subf %max3A_1122, %min3A_1127 : vector<16xf32>
        %mul3A_1139 = arith.constant 2.560000e+02 : f32
        %mul3A_1140 = vector.broadcast %mul3A_1139 : f32 to vector<16xf32>
        %mul3A_1141 = arith.mulf %sub3A_1138, %mul3A_1140 : vector<16xf32>
        %min3A_1142 = arith.constant 4.095000e+03 : f32
        %min3A_1143 = vector.broadcast %min3A_1142 : f32 to vector<16xf32>
        %min3A_1144 = arith.minimumf %mul3A_1141, %min3A_1143 : vector<16xf32>
        %sub3A_1145 = arith.subf %max3A_1123, %min3A_1128 : vector<16xf32>
        %mul3A_1146 = arith.constant 2.560000e+02 : f32
        %mul3A_1147 = vector.broadcast %mul3A_1146 : f32 to vector<16xf32>
        %mul3A_1148 = arith.mulf %sub3A_1145, %mul3A_1147 : vector<16xf32>
        %min3A_1149 = arith.constant 4.095000e+03 : f32
        %min3A_1150 = vector.broadcast %min3A_1149 : f32 to vector<16xf32>
        %min3A_1151 = arith.minimumf %mul3A_1148, %min3A_1150 : vector<16xf32>
        %sub3A_1152 = arith.subf %max3A_1124, %min3A_1129 : vector<16xf32>
        %mul3A_1153 = arith.constant 2.560000e+02 : f32
        %mul3A_1154 = vector.broadcast %mul3A_1153 : f32 to vector<16xf32>
        %mul3A_1155 = arith.mulf %sub3A_1152, %mul3A_1154 : vector<16xf32>
        %min3A_1156 = arith.constant 4.095000e+03 : f32
        %min3A_1157 = vector.broadcast %min3A_1156 : f32 to vector<16xf32>
        %min3A_1158 = arith.minimumf %mul3A_1155, %min3A_1157 : vector<16xf32>
        %sub3A_1159 = arith.subf %max3A_1125, %min3A_1130 : vector<16xf32>
        %mul3A_1160 = arith.constant 2.560000e+02 : f32
        %mul3A_1161 = vector.broadcast %mul3A_1160 : f32 to vector<16xf32>
        %mul3A_1162 = arith.mulf %sub3A_1159, %mul3A_1161 : vector<16xf32>
        %min3A_1163 = arith.constant 4.095000e+03 : f32
        %min3A_1164 = vector.broadcast %min3A_1163 : f32 to vector<16xf32>
        %min3A_1165 = arith.minimumf %mul3A_1162, %min3A_1164 : vector<16xf32>
        %convert_element_type3A_1166 = arith.fptosi %min3A_1137 : vector<16xf32> to vector<16xi32>
        %convert_element_type3A_1167 = arith.fptosi %min3A_1144 : vector<16xf32> to vector<16xi32>
        %convert_element_type3A_1168 = arith.fptosi %min3A_1151 : vector<16xf32> to vector<16xi32>
        %convert_element_type3A_1169 = arith.fptosi %min3A_1158 : vector<16xf32> to vector<16xi32>
        %convert_element_type3A_1170 = arith.fptosi %min3A_1165 : vector<16xf32> to vector<16xi32>
        %gather3A_1171 = tpu.vector_load_idx %arg15[%convert_element_type3A_1166] : memref<4112xf32, #tpu.memory_space<vmem>>[vector<16xi32>], vector<16xf32>,
        %gather3A_1172 = tpu.vector_load_idx %arg15[%convert_element_type3A_1167] : memref<4112xf32, #tpu.memory_space<vmem>>[vector<16xi32>], vector<16xf32>,
        %gather3A_1173 = tpu.vector_load_idx %arg15[%convert_element_type3A_1168] : memref<4112xf32, #tpu.memory_space<vmem>>[vector<16xi32>], vector<16xf32>,
        %gather3A_1174 = tpu.vector_load_idx %arg15[%convert_element_type3A_1169] : memref<4112xf32, #tpu.memory_space<vmem>>[vector<16xi32>], vector<16xf32>,
        %gather3A_1175 = tpu.vector_load_idx %arg15[%convert_element_type3A_1170] : memref<4112xf32, #tpu.memory_space<vmem>>[vector<16xi32>], vector<16xf32>,
        %add3A_1176 = arith.addf %max3A_1121, %gather3A_1171 : vector<16xf32>
        %add3A_1177 = arith.addf %max3A_1122, %gather3A_1172 : vector<16xf32>
        %add3A_1178 = arith.addf %max3A_1123, %gather3A_1173 : vector<16xf32>
        %add3A_1179 = arith.addf %max3A_1124, %gather3A_1174 : vector<16xf32>
        %add3A_1180 = arith.addf %max3A_1125, %gather3A_1175 : vector<16xf32>
        %add3A_1181 = arith.constant 0 : i32
        %add3A_1182 = arith.addi %mul3A_1059, %add3A_1181 : i32
        %swap3A_1183 = arith.index_cast %add3A_1182 : i32 to index
        %swap3A_1184 = tpu.vector_load %arg16[%swap3A_1183] {strides = array<i32>} : memref<46080xf32, #tpu.memory_space<vmem>>, vector<16xf32>,
        tpu.vector_store %arg16[%swap3A_1183], %add3A_1176 {strides = array<i32>} : memref<46080xf32, #tpu.memory_space<vmem>>, vector<16xf32>,
        %add3A_1185 = arith.constant 16 : i32
        %add3A_1186 = arith.addi %mul3A_1059, %add3A_1185 : i32
        %swap3A_1187 = arith.index_cast %add3A_1186 : i32 to index
        %swap3A_1188 = tpu.vector_load %arg16[%swap3A_1187] {strides = array<i32>} : memref<46080xf32, #tpu.memory_space<vmem>>, vector<16xf32>,
        tpu.vector_store %arg16[%swap3A_1187], %add3A_1177 {strides = array<i32>} : memref<46080xf32, #tpu.memory_space<vmem>>, vector<16xf32>,
        %add3A_1189 = arith.constant 32 : i32
        %add3A_1190 = arith.addi %mul3A_1059, %add3A_1189 : i32
        %swap3A_1191 = arith.index_cast %add3A_1190 : i32 to index
        %swap3A_1192 = tpu.vector_load %arg16[%swap3A_1191] {strides = array<i32>} : memref<46080xf32, #tpu.memory_space<vmem>>, vector<16xf32>,
        tpu.vector_store %arg16[%swap3A_1191], %add3A_1178 {strides = array<i32>} : memref<46080xf32, #tpu.memory_space<vmem>>, vector<16xf32>,
        %add3A_1193 = arith.constant 48 : i32
        %add3A_1194 = arith.addi %mul3A_1059, %add3A_1193 : i32
        %swap3A_1195 = arith.index_cast %add3A_1194 : i32 to index
        %swap3A_1196 = tpu.vector_load %arg16[%swap3A_1195] {strides = array<i32>} : memref<46080xf32, #tpu.memory_space<vmem>>, vector<16xf32>,
        tpu.vector_store %arg16[%swap3A_1195], %add3A_1179 {strides = array<i32>} : memref<46080xf32, #tpu.memory_space<vmem>>, vector<16xf32>,
        %add3A_1197 = arith.constant 64 : i32
        %add3A_1198 = arith.addi %mul3A_1059, %add3A_1197 : i32
        %swap3A_1199 = arith.index_cast %add3A_1198 : i32 to index
        %swap3A_1200 = tpu.vector_load %arg16[%swap3A_1199] {strides = array<i32>} : memref<46080xf32, #tpu.memory_space<vmem>>, vector<16xf32>,
        tpu.vector_store %arg16[%swap3A_1199], %add3A_1180 {strides = array<i32>} : memref<46080xf32, #tpu.memory_space<vmem>>, vector<16xf32>,
        scf.yield %add3A_1176, %add3A_1177, %add3A_1178, %add3A_1179, %add3A_1180 : vector<16xf32>, vector<16xf32>, vector<16xf32>, vector<16xf32>, vector<16xf32>
      }
      %scan3A_748 = arith.constant 287 : i32
      %sub3A_749 = arith.constant 575 : i32
      %sub3A_750 = vector.broadcast %sub3A_749 : i32 to vector<16xi32>
      %sub3A_751 = arith.subi %sub3A_750, %add3A_643 : vector<16xi32>
      %jit3A_752 = arith.constant 0 : i32
      %jit3A_753 = arith.constant 511 : i32
      %max3A_754 = vector.broadcast %jit3A_752 : i32 to vector<16xi32>
      %max3A_755 = arith.maxsi %max3A_754, %sub3A_751 : vector<16xi32>
      %min3A_756 = vector.broadcast %jit3A_753 : i32 to vector<16xi32>
      %min3A_757 = arith.minsi %min3A_756, %max3A_755 : vector<16xi32>
      %sub3A_758 = arith.constant 575 : i32
      %sub3A_759 = vector.broadcast %sub3A_758 : i32 to vector<16xi32>
      %sub3A_760 = arith.subi %sub3A_759, %add3A_661 : vector<16xi32>
      %jit3A_761 = arith.constant 0 : i32
      %jit3A_762 = arith.constant 511 : i32
      %max3A_763 = vector.broadcast %jit3A_761 : i32 to vector<16xi32>
      %max3A_764 = arith.maxsi %max3A_763, %sub3A_760 : vector<16xi32>
      %min3A_765 = vector.broadcast %jit3A_762 : i32 to vector<16xi32>
      %min3A_766 = arith.minsi %min3A_765, %max3A_764 : vector<16xi32>
      %sub3A_767 = arith.constant 575 : i32
      %sub3A_768 = vector.broadcast %sub3A_767 : i32 to vector<16xi32>
      %sub3A_769 = arith.subi %sub3A_768, %add3A_681 : vector<16xi32>
      %jit3A_770 = arith.constant 0 : i32
      %jit3A_771 = arith.constant 511 : i32
      %max3A_772 = vector.broadcast %jit3A_770 : i32 to vector<16xi32>
      %max3A_773 = arith.maxsi %max3A_772, %sub3A_769 : vector<16xi32>
      %min3A_774 = vector.broadcast %jit3A_771 : i32 to vector<16xi32>
      %min3A_775 = arith.minsi %min3A_774, %max3A_773 : vector<16xi32>
      %sub3A_776 = arith.constant 575 : i32
      %sub3A_777 = vector.broadcast %sub3A_776 : i32 to vector<16xi32>
      %sub3A_778 = arith.subi %sub3A_777, %add3A_701 : vector<16xi32>
      %jit3A_779 = arith.constant 0 : i32
      %jit3A_780 = arith.constant 511 : i32
      %max3A_781 = vector.broadcast %jit3A_779 : i32 to vector<16xi32>
      %max3A_782 = arith.maxsi %max3A_781, %sub3A_778 : vector<16xi32>
      %min3A_783 = vector.broadcast %jit3A_780 : i32 to vector<16xi32>
      %min3A_784 = arith.minsi %min3A_783, %max3A_782 : vector<16xi32>
      %sub3A_785 = arith.constant 575 : i32
      %sub3A_786 = vector.broadcast %sub3A_785 : i32 to vector<16xi32>
      %sub3A_787 = arith.subi %sub3A_786, %add3A_721 : vector<16xi32>
      %jit3A_788 = arith.constant 0 : i32
      %jit3A_789 = arith.constant 511 : i32
      %max3A_790 = vector.broadcast %jit3A_788 : i32 to vector<16xi32>
      %max3A_791 = arith.maxsi %max3A_790, %sub3A_787 : vector<16xi32>
      %min3A_792 = vector.broadcast %jit3A_789 : i32 to vector<16xi32>
      %min3A_793 = arith.minsi %min3A_792, %max3A_791 : vector<16xi32>
      %gather3A_794 = tpu.vector_load_idx %arg8[%min3A_757, %gather3A_651] : memref<512x128xf32, #tpu.memory_space<vmem>>[vector<16xi32>, vector<16xi32>], vector<16xf32>,
      %gather3A_795 = tpu.vector_load_idx %arg8[%min3A_766, %gather3A_671] : memref<512x128xf32, #tpu.memory_space<vmem>>[vector<16xi32>, vector<16xi32>], vector<16xf32>,
      %gather3A_796 = tpu.vector_load_idx %arg8[%min3A_775, %gather3A_691] : memref<512x128xf32, #tpu.memory_space<vmem>>[vector<16xi32>, vector<16xi32>], vector<16xf32>,
      %gather3A_797 = tpu.vector_load_idx %arg8[%min3A_784, %gather3A_711] : memref<512x128xf32, #tpu.memory_space<vmem>>[vector<16xi32>, vector<16xi32>], vector<16xf32>,
      %gather3A_798 = tpu.vector_load_idx %arg8[%min3A_793, %gather3A_731] : memref<512x128xf32, #tpu.memory_space<vmem>>[vector<16xi32>, vector<16xi32>], vector<16xf32>,
      %broadcast_in_dim3A_799 = vector.shape_cast %max3A_40 : vector<16xi32> to vector<16x1xi32>
      %gather3A_800 = vector.shape_cast %broadcast_in_dim3A_799 : vector<16x1xi32> to vector<16xi32>
      %gather3A_801 = tpu.dynamic_gather %scan3A_747#4[%gather3A_800] in [0] : vector<16xf32>, vector<16xi32> -> vector<16xf32>
      %jit3A_802 = arith.constant -1.000000e+30 : f32
      %broadcast_in_dim3A_803 = vector.broadcast %jit3A_802 : f32 to vector<16xf32>
      %select_n3A_804 = arith.select %eq3A_42, %broadcast_in_dim3A_803, %gather3A_801 : vector<16xi1>, vector<16xf32>
      %add3A_805 = arith.addf %scan3A_747#0, %gather3A_655 : vector<16xf32>
      %add3A_806 = arith.addf %scan3A_747#1, %gather3A_675 : vector<16xf32>
      %add3A_807 = arith.addf %scan3A_747#2, %gather3A_695 : vector<16xf32>
      %add3A_808 = arith.addf %scan3A_747#3, %gather3A_715 : vector<16xf32>
      %add3A_809 = arith.addf %scan3A_747#4, %gather3A_735 : vector<16xf32>
      %add3A_810 = arith.addf %select_n3A_804, %gather3A_794 : vector<16xf32>
      %add3A_811 = arith.addf %scan3A_747#0, %gather3A_795 : vector<16xf32>
      %add3A_812 = arith.addf %scan3A_747#1, %gather3A_796 : vector<16xf32>
      %add3A_813 = arith.addf %scan3A_747#2, %gather3A_797 : vector<16xf32>
      %add3A_814 = arith.addf %scan3A_747#3, %gather3A_798 : vector<16xf32>
      %max3A_815 = arith.maximumf %add3A_805, %add3A_810 : vector<16xf32>
      %max3A_816 = arith.maximumf %add3A_806, %add3A_811 : vector<16xf32>
      %max3A_817 = arith.maximumf %add3A_807, %add3A_812 : vector<16xf32>
      %max3A_818 = arith.maximumf %add3A_808, %add3A_813 : vector<16xf32>
      %max3A_819 = arith.maximumf %add3A_809, %add3A_814 : vector<16xf32>
      %min3A_820 = arith.minimumf %add3A_805, %add3A_810 : vector<16xf32>
      %min3A_821 = arith.minimumf %add3A_806, %add3A_811 : vector<16xf32>
      %min3A_822 = arith.minimumf %add3A_807, %add3A_812 : vector<16xf32>
      %min3A_823 = arith.minimumf %add3A_808, %add3A_813 : vector<16xf32>
      %min3A_824 = arith.minimumf %add3A_809, %add3A_814 : vector<16xf32>
      %sub3A_825 = arith.subf %max3A_815, %min3A_820 : vector<16xf32>
      %mul3A_826 = arith.constant 2.560000e+02 : f32
      %mul3A_827 = vector.broadcast %mul3A_826 : f32 to vector<16xf32>
      %mul3A_828 = arith.mulf %sub3A_825, %mul3A_827 : vector<16xf32>
      %min3A_829 = arith.constant 4.095000e+03 : f32
      %min3A_830 = vector.broadcast %min3A_829 : f32 to vector<16xf32>
      %min3A_831 = arith.minimumf %mul3A_828, %min3A_830 : vector<16xf32>
      %sub3A_832 = arith.subf %max3A_816, %min3A_821 : vector<16xf32>
      %mul3A_833 = arith.constant 2.560000e+02 : f32
      %mul3A_834 = vector.broadcast %mul3A_833 : f32 to vector<16xf32>
      %mul3A_835 = arith.mulf %sub3A_832, %mul3A_834 : vector<16xf32>
      %min3A_836 = arith.constant 4.095000e+03 : f32
      %min3A_837 = vector.broadcast %min3A_836 : f32 to vector<16xf32>
      %min3A_838 = arith.minimumf %mul3A_835, %min3A_837 : vector<16xf32>
      %sub3A_839 = arith.subf %max3A_817, %min3A_822 : vector<16xf32>
      %mul3A_840 = arith.constant 2.560000e+02 : f32
      %mul3A_841 = vector.broadcast %mul3A_840 : f32 to vector<16xf32>
      %mul3A_842 = arith.mulf %sub3A_839, %mul3A_841 : vector<16xf32>
      %min3A_843 = arith.constant 4.095000e+03 : f32
      %min3A_844 = vector.broadcast %min3A_843 : f32 to vector<16xf32>
      %min3A_845 = arith.minimumf %mul3A_842, %min3A_844 : vector<16xf32>
      %sub3A_846 = arith.subf %max3A_818, %min3A_823 : vector<16xf32>
      %mul3A_847 = arith.constant 2.560000e+02 : f32
      %mul3A_848 = vector.broadcast %mul3A_847 : f32 to vector<16xf32>
      %mul3A_849 = arith.mulf %sub3A_846, %mul3A_848 : vector<16xf32>
      %min3A_850 = arith.constant 4.095000e+03 : f32
      %min3A_851 = vector.broadcast %min3A_850 : f32 to vector<16xf32>
      %min3A_852 = arith.minimumf %mul3A_849, %min3A_851 : vector<16xf32>
      %sub3A_853 = arith.subf %max3A_819, %min3A_824 : vector<16xf32>
      %mul3A_854 = arith.constant 2.560000e+02 : f32
      %mul3A_855 = vector.broadcast %mul3A_854 : f32 to vector<16xf32>
      %mul3A_856 = arith.mulf %sub3A_853, %mul3A_855 : vector<16xf32>
      %min3A_857 = arith.constant 4.095000e+03 : f32
      %min3A_858 = vector.broadcast %min3A_857 : f32 to vector<16xf32>
      %min3A_859 = arith.minimumf %mul3A_856, %min3A_858 : vector<16xf32>
      %convert_element_type3A_860 = arith.fptosi %min3A_831 : vector<16xf32> to vector<16xi32>
      %convert_element_type3A_861 = arith.fptosi %min3A_838 : vector<16xf32> to vector<16xi32>
      %convert_element_type3A_862 = arith.fptosi %min3A_845 : vector<16xf32> to vector<16xi32>
      %convert_element_type3A_863 = arith.fptosi %min3A_852 : vector<16xf32> to vector<16xi32>
      %convert_element_type3A_864 = arith.fptosi %min3A_859 : vector<16xf32> to vector<16xi32>
      %gather3A_865 = tpu.vector_load_idx %arg15[%convert_element_type3A_860] : memref<4112xf32, #tpu.memory_space<vmem>>[vector<16xi32>], vector<16xf32>,
      %gather3A_866 = tpu.vector_load_idx %arg15[%convert_element_type3A_861] : memref<4112xf32, #tpu.memory_space<vmem>>[vector<16xi32>], vector<16xf32>,
      %gather3A_867 = tpu.vector_load_idx %arg15[%convert_element_type3A_862] : memref<4112xf32, #tpu.memory_space<vmem>>[vector<16xi32>], vector<16xf32>,
      %gather3A_868 = tpu.vector_load_idx %arg15[%convert_element_type3A_863] : memref<4112xf32, #tpu.memory_space<vmem>>[vector<16xi32>], vector<16xf32>,
      %gather3A_869 = tpu.vector_load_idx %arg15[%convert_element_type3A_864] : memref<4112xf32, #tpu.memory_space<vmem>>[vector<16xi32>], vector<16xf32>,
      %add3A_870 = arith.addf %max3A_815, %gather3A_865 : vector<16xf32>
      %add3A_871 = arith.addf %max3A_816, %gather3A_866 : vector<16xf32>
      %add3A_872 = arith.addf %max3A_817, %gather3A_867 : vector<16xf32>
      %add3A_873 = arith.addf %max3A_818, %gather3A_868 : vector<16xf32>
      %add3A_874 = arith.addf %max3A_819, %gather3A_869 : vector<16xf32>
      %swap3A_875 = arith.constant 46000 : index
      %swap3A_876 = tpu.vector_load %arg16[%swap3A_875] {strides = array<i32>} : memref<46080xf32, #tpu.memory_space<vmem>>, vector<16xf32>,
      tpu.vector_store %arg16[%swap3A_875], %add3A_870 {strides = array<i32>} : memref<46080xf32, #tpu.memory_space<vmem>>, vector<16xf32>,
      %swap3A_877 = arith.constant 46016 : index
      %swap3A_878 = tpu.vector_load %arg16[%swap3A_877] {strides = array<i32>} : memref<46080xf32, #tpu.memory_space<vmem>>, vector<16xf32>,
      tpu.vector_store %arg16[%swap3A_877], %add3A_871 {strides = array<i32>} : memref<46080xf32, #tpu.memory_space<vmem>>, vector<16xf32>,
      %swap3A_879 = arith.constant 46032 : index
      %swap3A_880 = tpu.vector_load %arg16[%swap3A_879] {strides = array<i32>} : memref<46080xf32, #tpu.memory_space<vmem>>, vector<16xf32>,
      tpu.vector_store %arg16[%swap3A_879], %add3A_872 {strides = array<i32>} : memref<46080xf32, #tpu.memory_space<vmem>>, vector<16xf32>,
      %swap3A_881 = arith.constant 46048 : index
      %swap3A_882 = tpu.vector_load %arg16[%swap3A_881] {strides = array<i32>} : memref<46080xf32, #tpu.memory_space<vmem>>, vector<16xf32>,
      tpu.vector_store %arg16[%swap3A_881], %add3A_873 {strides = array<i32>} : memref<46080xf32, #tpu.memory_space<vmem>>, vector<16xf32>,
      %swap3A_883 = arith.constant 46064 : index
      %swap3A_884 = tpu.vector_load %arg16[%swap3A_883] {strides = array<i32>} : memref<46080xf32, #tpu.memory_space<vmem>>, vector<16xf32>,
      tpu.vector_store %arg16[%swap3A_883], %add3A_874 {strides = array<i32>} : memref<46080xf32, #tpu.memory_space<vmem>>, vector<16xf32>,
      %broadcast_in_dim3A_885 = vector.broadcast %reduce_max3A_151 : i32 to vector<16xi32>
      %gather3A_886 = tpu.vector_load_idx %arg18[%broadcast_in_dim3A_885] : memref<80xi32, #tpu.memory_space<vmem>>[vector<16xi32>], vector<16xi32>,
      %mul3A_887 = arith.constant 80 : i32
      %mul3A_888 = arith.muli %add3A_154, %mul3A_887 : i32
      %add3A_889 = vector.broadcast %mul3A_888 : i32 to vector<16xi32>
      %add3A_890 = arith.addi %gather3A_886, %add3A_889 : vector<16xi32>
      %gather3A_891 = tpu.vector_load_idx %arg16[%add3A_890] : memref<46080xf32, #tpu.memory_space<vmem>>[vector<16xi32>], vector<16xf32>,
      %sub3A_892 = arith.constant 1 : i32
      %sub3A_893 = arith.subi %reduce_max3A_142, %sub3A_892 : i32
      %broadcast_in_dim3A_894 = vector.broadcast %sub3A_893 : i32 to vector<16xi32>
      %gather3A_895 = tpu.vector_load_idx %arg13[%broadcast_in_dim3A_894] : memref<528xf32, #tpu.memory_space<vmem>>[vector<16xi32>], vector<16xf32>,
      %broadcast_in_dim3A_896 = vector.broadcast %reduce_max3A_151 : i32 to vector<16xi32>
      %gather3A_897 = tpu.vector_load_idx %arg14[%broadcast_in_dim3A_896] : memref<80xf32, #tpu.memory_space<vmem>>[vector<16xi32>], vector<16xf32>,
      %add3A_898 = arith.addf %gather3A_891, %add3A_161 : vector<16xf32>
      %add3A_899 = arith.addf %gather3A_895, %gather3A_897 : vector<16xf32>
      %add3A_900 = arith.addf %add3A_898, %add3A_899 : vector<16xf32>
      %swap3A_901 = arith.constant 0 : index
      %swap3A_902 = tpu.vector_load %arg17[%swap3A_901] {strides = array<i32>} : memref<16xf32, #tpu.memory_space<vmem>>, vector<16xf32>,
      tpu.vector_store %arg17[%swap3A_901], %add3A_900 {strides = array<i32>} : memref<16xf32, #tpu.memory_space<vmem>>, vector<16xf32>,
      "tpu.region"() ({
        %run_scoped3A = tpu.sem_alloc : memref<!tpu.dma_semaphore, #tpu.memory_space<semaphore_mem>>
        %dma_start3A_903 = arith.constant 0 : i32
        %dma_start3A_904 = tpu.memref_slice %arg7[%add3A, %dma_start3A_903] : memref<8x16xf32, #tpu.memory_space<hbm>> -> memref<1x16xf32, #tpu.memory_space<hbm>>
        %dma_start3A_905 = tpu.memref_squeeze %dma_start3A_904 : memref<1x16xf32, #tpu.memory_space<hbm>> -> memref<16xf32, #tpu.memory_space<hbm>>
        %dma_start3A_906 = arith.constant 0 : i32
        %dma_start3A_907 = tpu.memref_slice %arg7[%add3A, %dma_start3A_906] : memref<8x16xf32, #tpu.memory_space<hbm>> -> memref<1x16xf32, #tpu.memory_space<hbm>>
        %dma_start3A_908 = tpu.memref_squeeze %dma_start3A_907 : memref<1x16xf32, #tpu.memory_space<hbm>> -> memref<16xf32, #tpu.memory_space<hbm>>
        tpu.enqueue_dma source(%arg17 : memref<16xf32, #tpu.memory_space<vmem>>) target(%dma_start3A_908 : memref<16xf32, #tpu.memory_space<hbm>>) target_semaphore(%run_scoped3A : memref<!tpu.dma_semaphore, #tpu.memory_space<semaphore_mem>>)
        %dma_wait3A_909 = arith.constant 0 : i32
        %dma_wait3A_910 = tpu.memref_slice %arg7[%add3A, %dma_wait3A_909] : memref<8x16xf32, #tpu.memory_space<hbm>> -> memref<1x16xf32, #tpu.memory_space<hbm>>
        %dma_wait3A_911 = tpu.memref_squeeze %dma_wait3A_910 : memref<1x16xf32, #tpu.memory_space<hbm>> -> memref<16xf32, #tpu.memory_space<hbm>>
        %dma_wait3A_912 = arith.constant 0 : i32
        %dma_wait3A_913 = tpu.memref_slice %arg7[%add3A, %dma_wait3A_912] : memref<8x16xf32, #tpu.memory_space<hbm>> -> memref<1x16xf32, #tpu.memory_space<hbm>>
        %dma_wait3A_914 = tpu.memref_squeeze %dma_wait3A_913 : memref<1x16xf32, #tpu.memory_space<hbm>> -> memref<16xf32, #tpu.memory_space<hbm>>
        tpu.wait_dma2 semaphore(%run_scoped3A : memref<!tpu.dma_semaphore, #tpu.memory_space<semaphore_mem>>) src(%arg17 : memref<16xf32, #tpu.memory_space<vmem>>) dst(%dma_wait3A_914 : memref<16xf32, #tpu.memory_space<hbm>>)
        tpu.yield
      }) : () -> ()
    } else {
    }
    return
  }
}

</mosaic_0001>

<sc_bundles>
// kernel: _rnnt_sc.3.cloned.1.call-start
scs
__scs_entry_jumppad:
0x0: {  	(pc) =	sbr.rel $0x88, $3  }
0x1: {  	(tag) =	ssettag $0x0;
	lr =	simm.s32 $0x1  }
0x2: {  	[smem:$0x3F9C] =	sst lr;
	_ =	strace $0xD0000000  }
0x3: {  	_ = 	snop  }
0x4: {  	_ = 	snop  }
0x5: {  	_ = 	snop  }
0x6: {  	_ = 	snop  }
0x7: {  	_ = 	snop  }
__scs_overlays_trampoline_lowered:
0x8: {  	[smem:$0x3FAB] =	sst s0  }
0x9: {  	[smem:$0x3FAC] =	sst s1  }
0xa: {  	[smem:$0x3FAD] =	sst s2  }
0xb: {  	[smem:$0x3FAE] =	sst s3  }
0xc: {  	[smem:$0x3FAF] =	sst s4  }
0xd: {  	[smem:$0x3FB0] =	sst s5  }
0xe: {  	[smem:$0x3FB1] =	sst s6  }
0xf: {  	[smem:$0x3FB2] =	sst s7  }
0x10: {  	[smem:$0x3FB3] =	sst s8  }
0x11: {  	[smem:$0x3FB4] =	sst s9;
	s0 =	simm.s32 @!p0 $0x0  }
0x12: {  	s1 =	sld [smem:$0x3F9A];
	s0 =	simm.s32 @p0 $0x1  }
0x13: {  	[smem:$0x3FB5] =	sst s0;
	s0 =	simm.s32 @!p1 $0x0  }
0x14: {  	s2 =	sld [smem:$0x3F99];
	s0 =	simm.s32 @p1 $0x1  }
0x15: {  	[smem:$0x3FB6] =	sst s0;
	s0 =	simm.s32 @!p2 $0x0  }
0x16: {  	s3 =	sld [smem:$0x3FDB];
	s0 =	simm.s32 @p2 $0x1  }
0x17: {  	s4 =	simm.s32 $0x1BF5;
	[smem:$0x3FB8] =	sst s0  }
0x18: {  	s0 =	sld [smem:$0x3F9B];
	_ =	swait.ge [sflag:s4], $0x0  }
0x19: {  	s7 =	sld [smem:$0x3F9C]  }
0x1a: {  	s8 =	sadd.s32 $0xFFFFE003, lr  }
0x1b: {  	s9 =	sadd.s32 $0xFFFFFEF7, lr;
	s5 =	simm.s32 $0xFFFFFFFF;
	p2 =	slt.u32 s8, $0xFFFFF086  }
0x1c: {  	p1 =	slt.u32 s9, $0xF7A;
	s5 =	simm.s32 @!p2 $0x0  }
0x1d: {  	s5 =	simm.s32 @p1 $0x1;
	p0 =	seq.s32 s7, s2  }
0x1e: {  	s7 =	smul.u32 @!p0 $0xF7A, s2;
	p2 =	seq.s32 @!p0 s5, $0x0  }
0x1f: {  	s9 =	smul.u32 $0xF7A, s1;
	s8 =	simm.s32 @!p0 $0x1BF5;
	p2 =	por !p2, p0  }
0x20: {  	[sflag:s8] =	ssyncset.s32 @!p0 $0xFFFFF086;
	s6 =	sadd.s32 @!p0 s3, s7;
	s7 =	simm.s32 @!p0 $0x108  }
0x21: {  	s3 =	sadd.s32 s3, s9;
	s6 =	sadd.s32 @!p0 $0x88, s6;
	s7 =	simm.s32 @p2 $0x1082  }
0x22: {  	[simem:s7], [sflag:s8] =	dma.local @!p0 [hbm:s6], $0xF7A  }
0x23: {  	s9 =	sor.u32 $0xD0000000, s2;
	s6 =	simm.s32 $0x108;
	_ =	swait.ge @!p0 [sflag:s8], $0x0  }
0x24: {  	s3 =	sadd.s32 $0x88, s3;
	s6 =	simm.s32 @!p1 $0x1082;
	[sflag:s4] =	ssyncset.s32 $0xFFFFF086  }
0x25: {  	[simem:s6], [sflag:s4] =	dma.local [hbm:s3], $0xF7A  }
0x26: {  	[smem:$0x3F9C] =	sst s1;
	(tag) =	ssettag s2;
	_ =	strace s9  }
0x27: {  	s1 =	sld [smem:$0x3FAC]  }
0x28: {  	s2 =	sld [smem:$0x3FAD]  }
0x29: {  	s4 =	sld [smem:$0x3FAF]  }
0x2a: {  	p0 =	seq.s32 s5, $0x0;
	s5 =	sld [smem:$0x3FB0]  }
0x2b: {  	s6 =	sld [smem:$0x3FB1]  }
0x2c: {  	s7 =	sld [smem:$0x3FB2]  }
0x2d: {  	s3 =	simm.s32 $0x108;
	s8 =	sld [smem:$0x3FB3]  }
0x2e: {  	s3 =	simm.s32 @!p0 $0x1082;
	s9 =	sld [smem:$0x3FB4]  }
0x2f: {  	lr =	sadd.s32 s0, s3;
	s0 =	sld [smem:$0x3FAB]  }
0x30: {  	s3 =	sld [smem:$0x3FAE]  }
0x31: {  	[smem:$0x3FB7] =	sst s10  }
0x32: {  	s10 =	sld [smem:$0x3FB5];
	_ =	sdelay $0x3  }
0x33: {  	p0 =	seq.s32 s10, $0x1;
	s10 =	sld [smem:$0x3FB7];
	_ =	sdelay $0x3  }
0x34: {  	[smem:$0x3FB7] =	sst s10  }
0x35: {  	s10 =	sld [smem:$0x3FB6];
	_ =	sdelay $0x3  }
0x36: {  	p1 =	seq.s32 s10, $0x1;
	s10 =	sld [smem:$0x3FB7];
	_ =	sdelay $0x3  }
0x37: {  	[smem:$0x3FB7] =	sst s10  }
0x38: {  	s10 =	sld [smem:$0x3FB8]  }
0x39: {  	_ = 	snop;
	(pc) =	sbr.ind lr, $3  }
0x3a: {  	_ = 	snop  }
0x3b: {  	_ = 	snop  }
0x3c: {  	p2 =	seq.s32 s10, $0x1;
	s10 =	sld [smem:$0x3FB7]  }
0x3d: {  	_ =	shalt  }
0x3e: {  	_ =	shalt  }
0x3f: {  	_ =	shalt  }
0x40: {  	_ =	shalt  }
0x41: {  	_ =	shalt  }
0x42: {  	_ =	shalt  }
0x43: {  	_ =	shalt  }
0x44: {  	_ =	shalt  }
0x45: {  	_ =	shalt  }
0x46: {  	_ =	shalt  }
0x47: {  	_ =	shalt  }
0x48: {  	_ =	shalt  }
0x49: {  	_ =	shalt  }
0x4a: {  	_ =	shalt  }
0x4b: {  	_ =	shalt  }
0x4c: {  	_ =	shalt  }
0x4d: {  	_ =	shalt  }
0x4e: {  	_ =	shalt  }
0x4f: {  	_ =	shalt  }
0x50: {  	_ =	shalt  }
0x51: {  	_ =	shalt  }
0x52: {  	_ =	shalt  }
0x53: {  	_ =	shalt  }
0x54: {  	_ =	shalt  }
0x55: {  	_ =	shalt  }
0x56: {  	_ =	shalt  }
0x57: {  	_ =	shalt  }
0x58: {  	_ =	shalt  }
0x59: {  	_ =	shalt  }
0x5a: {  	_ =	shalt  }
0x5b: {  	_ =	shalt  }
0x5c: {  	_ =	shalt  }
0x5d: {  	_ =	shalt  }
0x5e: {  	_ =	shalt  }
0x5f: {  	_ =	shalt  }
0x60: {  	_ =	shalt  }
0x61: {  	_ =	shalt  }
0x62: {  	_ =	shalt  }
0x63: {  	_ =	shalt  }
0x64: {  	_ =	shalt  }
0x65: {  	_ =	shalt  }
0x66: {  	_ =	shalt  }
0x67: {  	_ =	shalt  }
0x68: {  	_ =	shalt  }
0x69: {  	_ =	shalt  }
0x6a: {  	_ =	shalt  }
0x6b: {  	_ =	shalt  }
0x6c: {  	_ =	shalt  }
0x6d: {  	_ =	shalt  }
0x6e: {  	_ =	shalt  }
0x6f: {  	_ =	shalt  }
0x70: {  	_ =	shalt  }
0x71: {  	_ =	shalt  }
0x72: {  	_ =	shalt  }
0x73: {  	_ =	shalt  }
0x74: {  	_ =	shalt  }
0x75: {  	_ =	shalt  }
0x76: {  	_ =	shalt  }
0x77: {  	_ =	shalt  }
0x78: {  	_ =	shalt  }
0x79: {  	_ =	shalt  }
0x7a: {  	_ =	shalt  }
0x7b: {  	_ =	shalt  }
0x7c: {  	_ =	shalt  }
0x7d: {  	_ =	shalt  }
0x7e: {  	_ =	shalt  }
0x7f: {  	_ =	shalt  }
0x80: {  	_ =	shalt  }
0x81: {  	_ =	shalt  }
0x82: {  	_ =	shalt  }
0x83: {  	_ =	shalt  }
0x84: {  	_ =	shalt  }
0x85: {  	_ =	shalt  }
0x86: {  	_ =	shalt  }
0x87: {  	_ =	shalt  }
.Lfunc_end0:
.L_simem_size_0:
called_computation_lowered:
.L_overlay_start_0:
0x88: {  	s2 =	sld [smem:$0x3FD9]  }
0x89: {  	s3 =	sld [smem:$0x3FFE];
	_ =	sdelay $0x1  }
0x8a: {  	s1 =	srdreg.scid  }
0x8b: {  	s0 =	sand.u32 $0x1, s1  }
0x8c: {  	s17 =	sshll.u32 s0, $0xA;
	s2 =	sadd.s32 s3, s2  }
0x8d: {  	s2 =	sadd.s32 s2, s17  }
0x8e: {  	[smem:$0x3FC3] =	sst s2  }
0x8f: {  	_ = 	snop  }
0x90: {  	s2 =	sld [smem:$0x3FC9]  }
0x91: {  	s18 =	sld [smem:$0x3FC7]  }
0x92: {  	s4 =	sld [smem:$0x3FC6]  }
0x93: {  	s5 =	sld [smem:$0x3FC5]  }
0x94: {  	s6 =	sld [smem:$0x3FD0];
	(tm) =	ssettm $0x1  }
0x95: {  	s7 =	sld [smem:$0x3FFB];
	_ =	sdelay $0x3  }
0x96: {  	_ =	strace s7  }
0x97: {  	s7 =	sld [smem:$0x3FFC];
	_ =	sdelay $0x3  }
0x98: {  	_ =	strace s7  }
0x99: {  	s7 =	sld [smem:$0x3FFD];
	_ =	sdelay $0x3  }
0x9a: {  	_ =	strace s7  }
0x9b: {  	_ =	strace $0x8FFFFFFF  }
0x9c: {  	s19 =	sld [smem:$0x3FDB];
	_ =	sdelay $0x1  }
0x9d: {  	s8 =	simm.s32 $_scs_section_size  }
0x9e: {  	s9 =	simm.s32 $_size__tile_overlayer_lowered;
	s10 =	simm.s32 $_tile_overlayer_lowered  }
0x9f: {  	s22 =	simm.s32 $0x1BFF;
	s21 =	sshll.u32 s10, $0x1;
	s7 =	sadd.s32 s8, s19  }
0xa0: {  	s11 =	simm.s32 $0x0;
	s20 =	sshll.u32 s9, $0x1;
	s9 =	sadd.s32 s21, s7  }
0xa1: {  	[timem:s11], [sflag:s22] =	dma.local [hbm:s9], s20  }
0xa2: {  	_ =	swait.ge [sflag:s22], s20  }
0xa3: {  	s8 =	ssub.s32 $0x0, s20;
	[sflag:s22] =	ssyncset.done $0x0  }
0xa4: {  	[sflag:s22] =	ssyncadd.s32 s8;
	_ =	sdelay $0x1  }
0xa5: {  	s23 =	simm.s32 $0x1B8B  }
0xa6: {  	_ =	swait.ge [sflag:s23], $0x1  }
0xa7: {  	[sflag:s23] =	ssyncset.done $0x0  }
0xa8: {  	s25 =	simm.s32 $0x1B8E;
	s24 =	sld [smem:$0x3FFE];
	[sflag:s23] =	ssyncadd.s32 $0xFFFFFFFF  }
0xa9: {  	s26 =	simm.s32 $execute0_lowered;
	[smem:$0x3FD2] =	sst s25  }
0xaa: {  	s9 =	sshll.u32 s26, $0x1;
	_ =	strace $0x80000046;
	[dreg:$0x1] =	wrdreg $0xFFFFFFFF  }
0xab: {  	s28 =	simm.s32 $_size_execute0_lowered;
	s7 =	sadd.s32 s7, s9;
	[dreg:$0x0] =	wrdreg $0x0  }
0xac: {  	s9 =	sshll.u32 s28, $0x1;
	[dreg:$0x2] =	wrdreg s7  }
0xad: {  	[dreg:$0x3] =	wrdreg s9  }
0xae: {  	[dreg:$0x4] =	wrdreg $0xC0  }
0xaf: {  	_ =	task [dreg:s11], $0x5FFFF  }
0xb0: {  	[dreg:$0x1] =	wrdreg $0xFFFFFFFF  }
0xb1: {  	[dreg:$0x0] =	wrdreg $0x60  }
0xb2: {  	[dreg:$0x2] =	wrdreg s2  }
0xb3: {  	[dreg:$0x3] =	wrdreg s24  }
0xb4: {  	[dreg:$0x4] =	wrdreg s18  }
0xb5: {  	[dreg:$0x5] =	wrdreg s4  }
0xb6: {  	[dreg:$0x6] =	wrdreg s5  }
0xb7: {  	[dreg:$0x7] =	wrdreg s6  }
0xb8: {  	[dreg:$0x8] =	wrdreg $0x9  }
0xb9: {  	_ =	task.clear_ibuf [dreg:s11], $0x9FFFF;
	_ =	strace $0x90000046  }
0xba: {  	s29 =	simm.s32 $0x9;
	_ =	strace $0x80000048  }
0xbb: {  	_ =	swait.ge [sflag:s29], $0x1  }
0xbc: {  	[sflag:s29] =	ssyncadd.s32 $0xFFFFFFFF  }
0xbd: {  	_ =	strace $0x90000048  }
0xbe: {  	_ =	sfence  }
0xbf: {  	s30 =	sld [smem:$0x0];
	_ =	sdelay $0x2  }
0xc0: {  	s31 =	sshll.u32 s1, $0xD;
	s1 =	sshrl.u32 s1, $0x2  }
0xc1: {  	s3 =	sand.u32 $0x4000, s31;
	s1 =	sadd.s32 s1, s30  }
0xc2: {  	s0 =	sor.u32 s3, s0;
	s1 =	sshll.u32 s1, $0x11  }
0xc3: {  	s0 =	sor.u32 s1, s0  }
0xc4: {  	s0 =	sadd.s32 $0x8F2B, s0  }
0xc5: {  	[sflag:s0] =	ssyncadd.remote.s32 $0x1  }
0xc6: {  	_ =	sfence.sel $0xFFFF  }
0xc7: {  	[dreg:$0x0] =	wrdreg $0xFFFFFFFF;
	(pc) =	sbr.abs _section_cstart, $3  }
0xc8: {  	[dreg:$0x1] =	wrdreg $0xFFFFFFFF  }
0xc9: {  	_ =	task.clear_ibuf [dreg:s11], $0x2FFFF;
	_ =	strace $0x9FFFFFFF  }
0xca: {  	(tm) =	ssettm $0x7FFFFFFF  }
0xcb: {  	_ =	shalt  }
tec
execute0_lowered:
.L_overlay_start_1:
0x0: {  	(tag) =	ssettag $0x1  }
0x1: {  	v0 =	vimm.f32 $-8.735067390e-02;
	vm0 =	vcmask $0x300  }
0x2: {  	vm14 =	vcmask $0x704;
	v0 =	vsel vm0, $0xBB38AA3B, v0  }
0x3: {  	vm13 =	vcmask $0xB08;
	v0 =	vsel vm14, $0xBC0A7FAC, v0  }
0x4: {  	vm12 =	vcmask $0xF0C;
	v0 =	vsel vm13, $0xBC66D4CA, v0  }
0x5: {  	vm11 =	vcmask $0x1310;
	v0 =	vsel vm12, $0xBCA194F4, v0  }
0x6: {  	vm10 =	vcmask $0x1714;
	v0 =	vsel vm11, $0xBCCFBF82, v0  }
0x7: {  	vm9 =	vcmask $0x1B18;
	v0 =	vsel vm10, $0xBCFDEA11, v0  }
0x8: {  	vm8 =	vcmask $0x1F1C;
	v0 =	vsel vm9, $0xBD160A50, v0  }
0x9: {  	s8 =	rddreg [dreg:$0x0];
	vm7 =	vcmask $0x2320;
	v0 =	vsel vm8, $0xBD2D1F97, v0  }
0xa: {  	s5 =	rddreg [dreg:$0x1];
	vm6 =	vcmask $0x2724;
	v0 =	vsel vm7, $0xBD4434DF, v0  }
0xb: {  	s6 =	rddreg [dreg:$0x2];
	vm4 =	vcmask $0x2B28;
	v0 =	vsel vm6, $0xBD5B4A26, v0  }
0xc: {  	s0 =	rddreg [dreg:$0x3];
	vm3 =	vcmask $0x2F2C;
	v0 =	vsel vm4, $0xBD725F6D, v0  }
0xd: {  	s2 =	rddreg [dreg:$0x4];
	vm5 =	vcmask $0x3330;
	v0 =	vsel vm3, $0xBD84BA5A, v0  }
0xe: {  	s7 =	rddreg [dreg:$0x5];
	s3 =	simm.s32 $0x0;
	vm2 =	vcmask $0x3734;
	v0 =	vsel vm5, $0xBD9044FE, v0  }
0xf: {  	vm1 =	vcmask $0x3B38;
	[smem:$0x7FF] =	sst s3;
	v0 =	vsel vm2, $0xBD9BCFA2, v0  }
0x10: {  	s1 =	rddreg [dreg:$0x6];
	_ =	strace $0x80000047;
	v0 =	vsel vm1, $0xBDA75A45, v0  }
0x11: {  	(erf) = vpow2.f32 v0;
	_ =	sdelay $0x2  }
0x12: {  	s4 =	stileid.u32  }
0x13: {  	p0 =	sgt.u32 s4, $0x3  }
.Ltmp0:
0x14: {  	_ = 	snop;
	(pc) =	sbr.rel @p0 .LBB2_7-.Ltmp0, $2  }
0x15: {  	_ =	sdelay $0x2  }
0x16: {  	v0 =	vpop (erf)  }
0x17: {  	v1 =	vimm.s32 $0xE090400  }
0x18: {  	vm15 =	vcmask $0xF00;
	v2 =	vimm.s32 $0x221D1813;
	v3 =	vimm.s32 $0xF0A0500  }
0x19: {  	v4 =	vimm.s32 $0x100B0601;
	v5 =	vimm.s32 $0x110C0702;
	v6 =	vimm.s32 $0x120D0803  }
0x1a: {  	v7 =	vimm.s32 $0x231E1914;
	v8 =	vimm.s32 $0x241F1A15;
	v9 =	vimm.s32 $0x25201B16  }
0x1b: {  	v10 =	vimm.s32 $0x26211C17;
	v11 =	vimm.s32 $0x36312C27;
	v60 =	vimm.s32 $0x3A35302B  }
0x1c: {  	v62 =	vimm.s32 $0xF880;
	v1 =	vunpack.c.0.s8.s32 v1;
	v3 =	vunpack.c.0.s8.s32 v3  }
0x1d: {  	v4 =	vunpack.c.0.s8.s32 v4;
	v5 =	vunpack.c.0.s8.s32 v5;
	v2 =	vunpack.c.0.s8.s32 v2  }
0x1e: {  	v6 =	vunpack.c.0.s8.s32 v6;
	v7 =	vunpack.c.0.s8.s32 v7;
	v8 =	vunpack.c.0.s8.s32 v8  }
0x1f: {  	v9 =	vunpack.c.0.s8.s32 v9;
	v10 =	vunpack.c.0.s8.s32 v10;
	v11 =	vunpack.c.0.s8.s32 v11  }
0x20: {  	v1 =	vnsel vm15, $0x3F, v1;
	v3 =	vnsel vm15, $0x3F, v3;
	v4 =	vnsel vm15, $0x3F, v4  }
0x21: {  	v5 =	vnsel vm15, $0x3F, v5;
	v6 =	vnsel vm15, $0x3F, v6;
	vm15 =	vcmask $0x1F10  }
0x22: {  	v1 =	vsel vm15, v2, v1;
	v2 =	vimm.s32 $0x2000;
	v3 =	vsel vm15, v7, v3  }
0x23: {  	v4 =	vsel vm15, v8, v4;
	v5 =	vsel vm15, v9, v5;
	v6 =	vsel vm15, v10, v6  }
0x24: {  	v56 =	vsel vm0, $0x0, v2;
	v8 =	vsel vm0, $0x80, v2;
	v9 =	vsel vm0, $0x100, v2  }
0x25: {  	v10 =	vsel vm0, $0x180, v2;
	v2 =	vsel vm0, $0x200, v2;
	v7 =	vsel vm14, $0x280, v56  }
0x26: {  	v8 =	vsel vm14, $0x300, v8;
	v9 =	vsel vm14, $0x380, v9;
	v10 =	vsel vm14, $0x400, v10  }
0x27: {  	v2 =	vsel vm14, $0x480, v2;
	vm14 =	vcmask $0x2F20;
	v7 =	vsel vm13, $0x500, v7  }
0x28: {  	v8 =	vsel vm13, $0x580, v8;
	v9 =	vsel vm13, $0x600, v9;
	v10 =	vsel vm13, $0x680, v10  }
0x29: {  	v2 =	vsel vm13, $0x700, v2;
	v1 =	vsel vm14, v11, v1;
	v7 =	vsel vm12, $0x780, v7  }
0x2a: {  	v11 =	vimm.s32 $0x37322D28;
	v8 =	vsel vm12, $0x800, v8;
	v7 =	vsel vm11, $0xA00, v7  }
0x2b: {  	v9 =	vsel vm12, $0x880, v9;
	v10 =	vsel vm12, $0x900, v10;
	v7 =	vsel vm10, $0xC80, v7  }
0x2c: {  	v2 =	vsel vm12, $0x980, v2;
	v1 =	vsel vm5, $0x3B, v1;
	v7 =	vsel vm9, $0xF00, v7  }
0x2d: {  	v57 =	vunpack.c.0.s8.s32 v11;
	v8 =	vsel vm11, $0xA80, v8;
	v7 =	vsel vm8, $0x1180, v7  }
0x2e: {  	v9 =	vsel vm11, $0xB00, v9;
	v8 =	vsel vm10, $0xD00, v8;
	v7 =	vsel vm7, $0x1400, v7  }
0x2f: {  	v10 =	vsel vm11, $0xB80, v10;
	v8 =	vsel vm9, $0xF80, v8;
	v7 =	vsel vm6, $0x1680, v7  }
0x30: {  	v2 =	vsel vm11, $0xC00, v2;
	v8 =	vsel vm8, $0x1200, v8;
	v7 =	vsel vm4, $0x1900, v7  }
0x31: {  	[tilespmem:$0x1FDC0] =	vst v1;
	v9 =	vsel vm10, $0xD80, v9;
	v8 =	vsel vm7, $0x1480, v8;
	v1 =	vsel vm3, $0x1B80, v7  }
0x32: {  	v10 =	vsel vm10, $0xE00, v10;
	v8 =	vsel vm6, $0x1700, v8;
	v1 =	vsel vm5, $0x1E00, v1  }
0x33: {  	v2 =	vsel vm10, $0xE80, v2;
	v3 =	vsel vm14, v57, v3;
	[tilespmem:$0x1FDD0] =	vst v1;
	v1 =	vsel vm4, $0x1980, v8  }
0x34: {  	v9 =	vsel vm9, $0x1000, v9;
	v10 =	vsel vm9, $0x1080, v10;
	v1 =	vsel vm3, $0x1C00, v1  }
0x35: {  	v2 =	vsel vm9, $0x1100, v2;
	v3 =	vsel vm5, $0x3C, v3;
	v1 =	vsel vm5, $0x1E80, v1  }
0x36: {  	v9 =	vsel vm8, $0x1280, v9;
	v10 =	vsel vm8, $0x1300, v10;
	[tilespmem:$0x1FDF0] =	vst v1;
	v1 =	vimm.s32 $0x39342F2A  }
0x37: {  	v2 =	vsel vm8, $0x1380, v2;
	v8 =	vimm.s32 $0x38332E29;
	v1 =	vunpack.c.0.s8.s32 v1  }
0x38: {  	v9 =	vsel vm7, $0x1500, v9;
	v10 =	vsel vm7, $0x1580, v10;
	v58 =	vunpack.c.0.s8.s32 v8  }
0x39: {  	v9 =	vsel vm6, $0x1780, v9;
	v10 =	vsel vm6, $0x1800, v10;
	v1 =	vsel vm14, v1, v5  }
0x3a: {  	[tilespmem:$0x1FDE0] =	vst v3;
	v61 =	vsel vm4, $0x1A80, v10;
	v3 =	vsel vm14, v58, v4;
	v1 =	vsel vm5, $0x3E, v1  }
0x3b: {  	v4 =	vunpack.c.0.s8.s32 v60;
	v3 =	vsel vm5, $0x3D, v3;
	[tilespmem:$0x1FE20] =	vst v1;
	v1 =	vsel vm3, $0x1D00, v61  }
0x3c: {  	v2 =	vsel vm7, $0x1600, v2;
	v59 =	vsel vm4, $0x1A00, v9;
	[tilespmem:$0x1FE00] =	vst v3;
	v1 =	vsel vm5, $0x1F80, v1  }
0x3d: {  	v2 =	vsel vm6, $0x1880, v2;
	v3 =	vsel vm3, $0x1C80, v59;
	[tilespmem:$0x1FE30] =	vst v1;
	v1 =	vsel vm14, v4, v6  }
0x3e: {  	v63 =	vimm.s32 $0xF800;
	v3 =	vsel vm5, $0x1F00, v3;
	[tilespmem:$0x1FE40] =	vst v1;
	v1 =	vsel vm4, $0x1B00, v2  }
0x3f: {  	vm15 =	vcmask $0x3300;
	[tilespmem:$0x1FE10] =	vst v3;
	v2 =	vimm.s32 $0xFA00;
	v1 =	vsel vm3, $0x1D80, v1  }
0x40: {  	v11 =	vlaneseq.u32;
	v3 =	vimm.s32 $0xF980;
	[tilespmem:$0x1FE50] =	vst v1;
	v1 =	vsel vm15, $0xFF80, v2  }
0x41: {  	v2 =	vsel vm15, $0xFF80, v3;
	v3 =	vimm.s32 $0xF900;
	v1 =	vsel vm2, $0xFF00, v1  }
0x42: {  	v3 =	vsel vm15, $0xFF80, v3;
	v2 =	vsel vm2, $0xFE80, v2;
	v1 =	vsel vm1, $0xFC80, v1  }
0x43: {  	v4 =	vsel vm15, $0xFF80, v62;
	v3 =	vsel vm2, $0xFE00, v3;
	[tilespmem:$0x1FE60] =	vst v1;
	v1 =	vsel vm1, $0xFC00, v2  }
0x44: {  	v5 =	vsel vm15, $0xFF80, v63;
	v4 =	vsel vm2, $0xFD80, v4;
	[tilespmem:$0x1FE70] =	vst v1;
	v1 =	vsel vm1, $0xFB80, v3  }
0x45: {  	v12 =	vmul.u32 $0x5, v11;
	v5 =	vsel vm2, $0xFD00, v5;
	[tilespmem:$0x1FE80] =	vst v1;
	v1 =	vsel vm1, $0xFB00, v4  }
0x46: {  	[tilespmem:$0x1FE90] =	vst v1;
	v1 =	vsel vm1, $0xFA80, v5  }
0x47: {  	[tilespmem:$0x1FEA0] =	vst v1;
	v1 =	vadd.s32 $0x1, v12  }
0x48: {  	[tilespmem:$0x1FEB0] =	vst v1;
	v1 =	vadd.s32 $0x2, v12  }
0x49: {  	[tilespmem:$0x1FEC0] =	vst v1;
	v1 =	vadd.s32 $0x3, v12  }
0x4a: {  	v26 =	vmul.u32 $0x80, v11;
	[tilespmem:$0x1FED0] =	vst v1;
	v1 =	vor.u32 $0x40, v11  }
0x4b: {  	[tilespmem:$0x1FEE0] =	vst v1;
	v1 =	vadd.s32 $0x4, v12  }
0x4c: {  	[tilespmem:$0x1FEF0] =	vst v1;
	v1 =	vor.u32 $0x2000, v26  }
0x4d: {  	[tilespmem:$0x1FF00] =	vst v1;
	v1 =	vor.u32 $0x2800, v26  }
0x4e: {  	[tilespmem:$0x1FF10] =	vst v1;
	v1 =	vor.u32 $0x3000, v26  }
0x4f: {  	[tilespmem:$0x1FF20] =	vst v1;
	v1 =	vor.u32 $0x3800, v26  }
0x50: {  	[tilespmem:$0x1FF30] =	vst v1;
	v1 =	vor.u32 $0x4000, v26  }
0x51: {  	[tilespmem:$0x1FF40] =	vst v1;
	v1 =	vor.u32 $0x4800, v26  }
0x52: {  	[tilespmem:$0x1FF50] =	vst v1;
	v1 =	vor.u32 $0x5000, v26  }
0x53: {  	[tilespmem:$0x1FF60] =	vst v1;
	v1 =	vor.u32 $0x5800, v26  }
0x54: {  	[tilespmem:$0x1FF70] =	vst v1;
	v1 =	vor.u32 $0x6000, v26  }
0x55: {  	[tilespmem:$0x1FF80] =	vst v1;
	v1 =	vor.u32 $0x6800, v26  }
0x56: {  	s9 =	srdreg.scid;
	[tilespmem:$0x1FF90] =	vst v1;
	v1 =	vor.u32 $0x7000, v26  }
0x57: {  	s10 =	sshll.u32 s4, $0x1;
	s9 =	sand.u32 $0x1, s9;
	[tilespmem:$0x1FFA0] =	vst v1;
	v1 =	vor.u32 $0x7800, v26  }
0x58: {  	v28 =	vimm.f32 $0.0e+00;
	v29 =	vimm.s32 $0xF;
	s10 =	sor.u32 s9, s10;
	[tilespmem:$0x1FFB0] =	vst v1;
	v1 =	vor.u32 $0x8000, v26  }
0x59: {  	s14 =	sadd.s32 $0x400, s5;
	v18 =	vmov s10;
	v19 =	vor.u32 $0x10, v11;
	[tilespmem:$0x1FFC0] =	vst v1;
	v1 =	vor.u32 $0x8800, v26  }
0x5a: {  	s16 =	simm.s32 $0x12880;
	s17 =	simm.s32 $0x13900;
	v21 =	vor.u32 $0x20, v11;
	v23 =	vor.u32 $0x30, v11;
	[tilespmem:$0x1FFD0] =	vst v1;
	v1 =	vor.u32 $0x9000, v26  }
0x5b: {  	s18 =	simm.s32 $0x12580;
	s19 =	simm.s32 $0x12800;
	v30 =	vor.u32 $0x800, v26;
	v31 =	vor.u32 $0x1000, v26;
	[tilespmem:$0x1FFE0] =	vst v1;
	v1 =	vor.u32 $0x9800, v26  }
0x5c: {  	s15 =	simm.s32 $0x1;
	s20 =	simm.s32 $0x1ED00;
	v32 =	vor.u32 $0x1800, v26;
	v49 =	vor.u32 $0xA000, v26;
	[tilespmem:$0x1FFF0] =	vst v1;
	v1 =	vimm.s32 $0xEDCBA987  }
0x5d: {  	s21 =	simm.s32 $0x2;
	s22 =	simm.s32 $0x0;
	s9 =	ssub.s32 $0x2, s9;
	v50 =	vor.u32 $0xA800, v26;
	v2 =	vimm.s32 $0x65432100;
	v1 =	vunpack.c.l.s4.s8 v1  }
0x5e: {  	s11 =	sshll.u32 s10, $0x4;
	s12 =	sshrl.u32 s9, $0x1;
	s13 =	smul.u32 $0x480, s10;
	v51 =	vor.u32 $0xB000, v26;
	v52 =	vor.u32 $0xB800, v26;
	v2 =	vunpack.c.l.s4.s8 v2  }
0x5f: {  	s10 =	sshll.u32 s10, $0xD;
	s5 =	sadd.s32 s7, s11;
	s9 =	ssub.s32 s9, s12;
	v53 =	vor.u32 $0xC000, v26;
	v54 =	vor.u32 $0xC800, v26;
	v1 =	vunpack.c.0.s8.s32 v1  }
0x60: {  	s6 =	sadd.s32 s6, s11;
	s8 =	sadd.s32 s8, s10;
	s10 =	simm.s32 $0x10000;
	v55 =	vor.u32 $0xD000, v26;
	v56 =	vor.u32 $0xD800, v26;
	v2 =	vunpack.c.0.s8.s32 v2  }
0x61: {  	s11 =	simm.s32 $0x12400;
	s12 =	simm.s32 $0x12480;
	s7 =	sadd.s32 s14, s13;
	v57 =	vor.u32 $0xE000, v26;
	v58 =	vor.u32 $0xE800, v26;
	v1 =	vand.u32 $0xF, v1  }
0x62: {  	s9 =	smax.u32 s9, $0x1;
	s13 =	simm.s32 $0x12500;
	s14 =	simm.s32 $0x1ED80;
	v59 =	vor.u32 $0xF000, v26;
	v61 =	vor.u32 $0xF800, v26;
	v60 =	vcombine.low v2, v1  }
.LBB2_2:
0x63: {  	v1 =	vmul.f32 $-1.720779950e-02, v0;
	_ =	sdelay $0x1  }
0x64: {  	v1 =	vadd.f32 $8.172564210e-02, v1;
	_ =	sdelay $0x1  }
0x65: {  	v2 =	vmul.f32 v1, v0;
	v1 =	vmul.f32 $9.394130700e-01, v0;
	_ =	sdelay $0x1  }
0x66: {  	v3 =	vmul.f32 $-1.720779950e-02, v1;
	v2 =	vadd.f32 $-1.887808290e-01, v2;
	_ =	sdelay $0x1  }
0x67: {  	v3 =	vadd.f32 $8.172564210e-02, v3;
	v4 =	vmul.f32 v2, v0;
	_ =	sdelay $0x1  }
0x68: {  	v2 =	vmul.f32 $9.394130700e-01, v1;
	v3 =	vmul.f32 v3, v1;
	v4 =	vadd.f32 $3.145891730e-01, v4;
	_ =	sdelay $0x1  }
0x69: {  	s23 =	simm.s32 $0x0;
	v5 =	vmul.f32 $-1.720779950e-02, v2;
	v3 =	vadd.f32 $-1.887808290e-01, v3;
	v4 =	vmul.f32 v4, v0  }
0x6a: {  	[tilespmem:s23], [sflag:$0x1] =	stream.linear.gather [hbm4b:s8+s23], $0x10000, $0x38;
	[tilespmem:$0x1EE00] =	vst v63  }
0x6b: {  	v5 =	vadd.f32 $8.172564210e-02, v5;
	v6 =	vmul.f32 v3, v1;
	v4 =	vadd.f32 $-4.969774190e-01, v4  }
0x6c: {  	v3 =	vmul.f32 $9.394130700e-01, v2  }
0x6d: {  	[tilespmem:s10], [sflag:$0x1] =	stream.linear.gather [hbm4b:s7+s23], $0x2080, $0x38;
	v5 =	vmul.f32 v5, v2;
	v6 =	vadd.f32 $3.145891730e-01, v6;
	v4 =	vmul.f32 v4, v0;
	[tilespmem:$0x1EE00] =	vst v63  }
0x6e: {  	v7 =	vmul.f32 $-1.720779950e-02, v3  }
0x6f: {  	[tilespmem:s11], [sflag:$0x1] =	stream.linear.gather [hbm4b:s6+s23], $0x80, $0x38;
	v5 =	vadd.f32 $-1.887808290e-01, v5;
	v6 =	vmul.f32 v6, v1;
	v4 =	vadd.f32 $9.997923370e-01, v4;
	[tilespmem:$0x1EE00] =	vst v63  }
0x70: {  	s25 =	simm.s32 $0x40;
	v7 =	vadd.f32 $8.172564210e-02, v7  }
0x71: {  	[tilespmem:s12], [sflag:$0x1] =	stream.linear.gather [hbm4b:s0+s23], $0x8, $0x38;
	v5 =	vmul.f32 v5, v2;
	v6 =	vadd.f32 $-4.969774190e-01, v6;
	v9 =	vmul.f32 v4, v0;
	[tilespmem:$0x1EE00] =	vst v63  }
0x72: {  	s26 =	simm.s32 $0x80;
	s24 =	simm.s32 $0xC0;
	s28 =	simm.s32 $0x100;
	v8 =	vmul.f32 v7, v3;
	v4 =	vmul.f32 $9.394130700e-01, v3  }
0x73: {  	[tilespmem:s13], [sflag:$0x1] =	stream.linear.gather [hbm4b:s2+s23], $0x8, $0x38;
	v7 =	vadd.f32 $3.145891730e-01, v5;
	v6 =	vmul.f32 v6, v1;
	v5 =	vadd.f32 $3.511021300e-06, v9;
	[tilespmem:$0x1EE00] =	vst v63  }
.LBB2_3:
0x74: {  	s29 =	sshra.s32 s23, $0x2;
	s23 =	smov.u32 s25;
	s25 =	smov.u32 s26  }
0x75: {  	v9 =	vmul.f32 $-1.720779950e-02, v4;
	v8 =	vadd.f32 $-1.887808290e-01, v8;
	s26 =	smov.u32 s24;
	s24 =	smov.u32 s28;
	p0 =	sne.s32 s28, $0x4000  }
.Ltmp1:
0x76: {  	s28 =	sadd.s32 $0x40, s28;
	v7 =	vmul.f32 v7, v2;
	v6 =	vadd.f32 $9.997923370e-01, v6;
	[tilespmem:s29+$0x12880] =	vst v5;
	(pc) =	sbr.rel @p0 .LBB2_3-.Ltmp1, $4  }
0x77: {  	v5 =	vadd.f32 $8.172564210e-02, v9  }
0x78: {  	v9 =	vmul.f32 v8, v3;
	v10 =	vadd.f32 $-4.969774190e-01, v7;
	v13 =	vmul.f32 v6, v1;
	v1 =	vmovc v2;
	v2 =	vmovc v3  }
0x79: {  	v3 =	vmov v4;
	v8 =	vmul.f32 v5, v4;
	v4 =	vmul.f32 $9.394130700e-01, v4  }
0x7a: {  	v7 =	vadd.f32 $3.145891730e-01, v9;
	v6 =	vmul.f32 v10, v1;
	v5 =	vadd.f32 $3.511021300e-06, v13  }
0x7b: {  	v4 =	vadd.f32 $-1.887808290e-01, v8;
	_ =	sdelay $0x1  }
0x7c: {  	v4 =	vmul.f32 v4, v3;
	_ =	sdelay $0x1  }
0x7d: {  	v4 =	vadd.f32 $3.145891730e-01, v4  }
0x7e: {  	v7 =	vmul.f32 v7, v2  }
0x7f: {  	v4 =	vmul.f32 v4, v3  }
0x80: {  	v7 =	vadd.f32 $-4.969774190e-01, v7  }
0x81: {  	v4 =	vadd.f32 $-4.969774190e-01, v4  }
0x82: {  	v7 =	vmul.f32 v7, v2  }
0x83: {  	v6 =	vadd.f32 $9.997923370e-01, v6;
	v4 =	vmul.f32 v4, v3  }
0x84: {  	v7 =	vadd.f32 $9.997923370e-01, v7  }
0x85: {  	v1 =	vmul.f32 v6, v1;
	v4 =	vadd.f32 $9.997923370e-01, v4  }
0x86: {  	v2 =	vmul.f32 v7, v2  }
0x87: {  	s23 =	sshra.s32 s23, $0x2;
	v1 =	vadd.f32 $3.511021300e-06, v1;
	v3 =	vmul.f32 v4, v3  }
0x88: {  	s30 =	sshra.s32 s25, $0x2;
	[tilespmem:s23+$0x12880] =	vst v5;
	v2 =	vadd.f32 $3.511021300e-06, v2  }
0x89: {  	s31 =	sshra.s32 s26, $0x2;
	[tilespmem:s30+$0x12880] =	vst v1;
	v1 =	vadd.f32 $3.511021300e-06, v3  }
0x8a: {  	s25 =	sshra.s32 s24, $0x2;
	[tilespmem:s31+$0x12880] =	vst v2  }
0x8b: {  	[tilespmem:s25+$0x12880] =	vst v1;
	v1 =	vld [tilespmem:$0x1FEB0];
	_ =	sdelay $0x6  }
0x8c: {  	[tilespmem:v12+s14+$0x0] =	vst.idx.msk $0xffff, v11  }
0x8d: {  	[tilespmem:v1+s14+$0x0] =	vst.idx.msk $0xffff, v19;
	v1 =	vld [tilespmem:$0x1FEC0];
	_ =	sdelay $0x7  }
0x8e: {  	[tilespmem:v1+s14+$0x0] =	vst.idx.msk $0xffff, v21;
	v1 =	vld [tilespmem:$0x1FED0];
	_ =	sdelay $0x4  }
0x8f: {  	v2 =	vld [tilespmem:$0x1FEF0];
	_ =	sdelay $0x2  }
0x90: {  	[tilespmem:v1+s14+$0x0] =	vst.idx.msk $0xffff, v23;
	v1 =	vld [tilespmem:$0x1FEE0];
	_ =	sdelay $0x4  }
0x91: {  	[tilespmem:v2+s14+$0x0] =	vst.idx.msk $0xffff, v1  }
0x92: {  	_ =	swait.ge [sflag:s15], $0x10000  }
0x93: {  	[sflag:s15] =	ssyncset.done $0x0  }
0x94: {  	[sflag:s15] =	ssyncadd.s32 $0xFFFF0000  }
0x95: {  	_ =	swait.ge [sflag:s15], $0x2080  }
0x96: {  	[sflag:s15] =	ssyncset.done $0x0  }
0x97: {  	[sflag:s15] =	ssyncadd.s32 $0xFFFFDF80  }
0x98: {  	_ =	swait.ge [sflag:s15], $0x80  }
0x99: {  	[sflag:s15] =	ssyncset.done $0x0  }
0x9a: {  	[sflag:s15] =	ssyncadd.s32 $0xFFFFFF80  }
0x9b: {  	_ =	swait.ge [sflag:s15], $0x8  }
0x9c: {  	[sflag:s15] =	ssyncset.done $0x0  }
0x9d: {  	[sflag:s15] =	ssyncadd.s32 $0xFFFFFFF8  }
0x9e: {  	_ =	swait.ge [sflag:s15], $0x8  }
0x9f: {  	[sflag:s15] =	ssyncset.done $0x0  }
0xa0: {  	[sflag:s15] =	ssyncadd.s32 $0xFFFFFFF8  }
0xa1: {  	v1 =	vld.idx.msk [tilespmem:v18+s12+$0x0], $0xffff  }
0xa2: {  	v2 =	vld.idx.msk [tilespmem:v18+s13+$0x0], $0xffff;
	_ =	sdelay $0x3  }
0xa3: {  	v1 =	vxor.u32 $0x80000000, v1  }
0xa4: {  	(xrf0) =	vmax.scan.msk.u32 $0xffff, v1;
	v1 =	vxor.u32 $0x80000000, v2  }
0xa5: {  	(xrf0) =	vmax.scan.msk.u32 $0xffff, v1;
	_ =	sdelay $0x4  }
0xa6: {  	v1, _, _ =	vpop (xrf0)  }
0xa7: {  	(v2sf) =	vpush v1, $0xF;
	v1, _, _ =	vpop (xrf0)  }
0xa8: {  	(v2sf) =	vpush v1, $0xF;
	_ =	sdelay $0xd  }
0xa9: {  	s26 =	spop (v2sf)  }
0xaa: {  	s29 =	spop (v2sf);
	s23 =	sadd.s32 $0x7FFFFFFF, s26  }
0xab: {  	s24 =	sxor.u32 $0x80000000, s29;
	v62 =	vmov s23  }
0xac: {  	v1 =	vshll.u32 v62, $0x7;
	v63 =	vmov s24  }
0xad: {  	v2 =	vshll.u32 v63, $0x7;
	_ =	sdelay $0x3  }
0xae: {  	v1 =	vld.idx.msk [tilespmem:v1+s3+$0x0], $0xffff  }
0xaf: {  	v2 =	vld.idx.msk [tilespmem:v2+s10+$0x0], $0xffff;
	[tilespmem:$0x12580] =	vst v28  }
0xb0: {  	v3 =	vld.idx.msk [tilespmem:v26+s3+$0x0], $0xffff;
	_ =	sdelay $0x4  }
0xb1: {  	(xrf2) =	vadd.scan.msk.f32 $0xffff, v3;
	_ =	sdelay $0x9  }
0xb2: {  	v3, _, _ =	vpop (xrf2)  }
0xb3: {  	v3 =	vadd.f32 $0.0e+00, v3;
	_ =	sdelay $0x1  }
0xb4: {  	[tilespmem:$0x12581] =	vst v3  }
0xb5: {  	v4 =	vld.idx.msk [tilespmem:v30+s3+$0x0], $0xffff;
	_ =	sdelay $0x4  }
0xb6: {  	(xrf2) =	vadd.scan.msk.f32 $0xffff, v4;
	_ =	sdelay $0x8  }
0xb7: {  	v3 =	vperm.xlane v3, v29  }
0xb8: {  	v4, _, _ =	vpop (xrf2)  }
0xb9: {  	v3 =	vadd.f32 v4, v3;
	_ =	sdelay $0x1  }
0xba: {  	[tilespmem:$0x12591] =	vst v3  }
0xbb: {  	v4 =	vld.idx.msk [tilespmem:v31+s3+$0x0], $0xffff;
	_ =	sdelay $0x4  }
0xbc: {  	(xrf2) =	vadd.scan.msk.f32 $0xffff, v4;
	_ =	sdelay $0x8  }
0xbd: {  	v3 =	vperm.xlane v3, v29  }
0xbe: {  	v4, _, _ =	vpop (xrf2)  }
0xbf: {  	v3 =	vadd.f32 v4, v3;
	_ =	sdelay $0x1  }
0xc0: {  	[tilespmem:$0x125A1] =	vst v3  }
0xc1: {  	v4 =	vld.idx.msk [tilespmem:v32+s3+$0x0], $0xffff;
	_ =	sdelay $0x4  }
0xc2: {  	(xrf2) =	vadd.scan.msk.f32 $0xffff, v4;
	_ =	sdelay $0x8  }
0xc3: {  	v3 =	vperm.xlane v3, v29  }
0xc4: {  	v4, _, _ =	vpop (xrf2)  }
0xc5: {  	v3 =	vadd.f32 v4, v3;
	v4 =	vld [tilespmem:$0x1FF00];
	_ =	sdelay $0x6  }
0xc6: {  	[tilespmem:$0x125B1] =	vst v3  }
0xc7: {  	v4 =	vld.idx.msk [tilespmem:v4+s3+$0x0], $0xffff;
	_ =	sdelay $0x4  }
0xc8: {  	(xrf2) =	vadd.scan.msk.f32 $0xffff, v4;
	_ =	sdelay $0x8  }
0xc9: {  	v3 =	vperm.xlane v3, v29  }
0xca: {  	v4, _, _ =	vpop (xrf2)  }
0xcb: {  	v3 =	vadd.f32 v4, v3;
	v4 =	vld [tilespmem:$0x1FF10];
	_ =	sdelay $0x6  }
0xcc: {  	[tilespmem:$0x125C1] =	vst v3  }
0xcd: {  	v4 =	vld.idx.msk [tilespmem:v4+s3+$0x0], $0xffff;
	_ =	sdelay $0x4  }
0xce: {  	(xrf2) =	vadd.scan.msk.f32 $0xffff, v4;
	_ =	sdelay $0x8  }
0xcf: {  	v3 =	vperm.xlane v3, v29  }
0xd0: {  	v4, _, _ =	vpop (xrf2)  }
0xd1: {  	v3 =	vadd.f32 v4, v3;
	v4 =	vld [tilespmem:$0x1FF20];
	_ =	sdelay $0x6  }
0xd2: {  	[tilespmem:$0x125D1] =	vst v3  }
0xd3: {  	v4 =	vld.idx.msk [tilespmem:v4+s3+$0x0], $0xffff;
	_ =	sdelay $0x4  }
0xd4: {  	(xrf2) =	vadd.scan.msk.f32 $0xffff, v4;
	_ =	sdelay $0x8  }
0xd5: {  	v3 =	vperm.xlane v3, v29  }
0xd6: {  	v4, _, _ =	vpop (xrf2)  }
0xd7: {  	v3 =	vadd.f32 v4, v3;
	v4 =	vld [tilespmem:$0x1FF30];
	_ =	sdelay $0x6  }
0xd8: {  	[tilespmem:$0x125E1] =	vst v3  }
0xd9: {  	v4 =	vld.idx.msk [tilespmem:v4+s3+$0x0], $0xffff;
	_ =	sdelay $0x4  }
0xda: {  	(xrf2) =	vadd.scan.msk.f32 $0xffff, v4;
	_ =	sdelay $0x8  }
0xdb: {  	v3 =	vperm.xlane v3, v29  }
0xdc: {  	v4, _, _ =	vpop (xrf2)  }
0xdd: {  	v3 =	vadd.f32 v4, v3;
	v4 =	vld [tilespmem:$0x1FF40];
	_ =	sdelay $0x6  }
0xde: {  	[tilespmem:$0x125F1] =	vst v3  }
0xdf: {  	v4 =	vld.idx.msk [tilespmem:v4+s3+$0x0], $0xffff;
	_ =	sdelay $0x4  }
0xe0: {  	(xrf2) =	vadd.scan.msk.f32 $0xffff, v4;
	_ =	sdelay $0x8  }
0xe1: {  	v3 =	vperm.xlane v3, v29  }
0xe2: {  	v4, _, _ =	vpop (xrf2)  }
0xe3: {  	v3 =	vadd.f32 v4, v3;
	v4 =	vld [tilespmem:$0x1FF50];
	_ =	sdelay $0x6  }
0xe4: {  	[tilespmem:$0x12601] =	vst v3  }
0xe5: {  	v4 =	vld.idx.msk [tilespmem:v4+s3+$0x0], $0xffff;
	_ =	sdelay $0x4  }
0xe6: {  	(xrf2) =	vadd.scan.msk.f32 $0xffff, v4;
	_ =	sdelay $0x8  }
0xe7: {  	v3 =	vperm.xlane v3, v29  }
0xe8: {  	v4, _, _ =	vpop (xrf2)  }
0xe9: {  	v3 =	vadd.f32 v4, v3;
	v4 =	vld [tilespmem:$0x1FF60];
	_ =	sdelay $0x6  }
0xea: {  	[tilespmem:$0x12611] =	vst v3  }
0xeb: {  	v4 =	vld.idx.msk [tilespmem:v4+s3+$0x0], $0xffff;
	_ =	sdelay $0x4  }
0xec: {  	(xrf2) =	vadd.scan.msk.f32 $0xffff, v4;
	_ =	sdelay $0x8  }
0xed: {  	v3 =	vperm.xlane v3, v29  }
0xee: {  	v4, _, _ =	vpop (xrf2)  }
0xef: {  	v3 =	vadd.f32 v4, v3;
	v4 =	vld [tilespmem:$0x1FF70];
	_ =	sdelay $0x6  }
0xf0: {  	[tilespmem:$0x12621] =	vst v3  }
0xf1: {  	v4 =	vld.idx.msk [tilespmem:v4+s3+$0x0], $0xffff;
	_ =	sdelay $0x4  }
0xf2: {  	(xrf2) =	vadd.scan.msk.f32 $0xffff, v4;
	_ =	sdelay $0x8  }
0xf3: {  	v3 =	vperm.xlane v3, v29  }
0xf4: {  	v4, _, _ =	vpop (xrf2)  }
0xf5: {  	v3 =	vadd.f32 v4, v3;
	v4 =	vld [tilespmem:$0x1FF80];
	_ =	sdelay $0x6  }
0xf6: {  	[tilespmem:$0x12631] =	vst v3  }
0xf7: {  	v4 =	vld.idx.msk [tilespmem:v4+s3+$0x0], $0xffff;
	_ =	sdelay $0x4  }
0xf8: {  	(xrf2) =	vadd.scan.msk.f32 $0xffff, v4;
	_ =	sdelay $0x8  }
0xf9: {  	v3 =	vperm.xlane v3, v29  }
0xfa: {  	v4, _, _ =	vpop (xrf2)  }
0xfb: {  	v3 =	vadd.f32 v4, v3;
	v4 =	vld [tilespmem:$0x1FF90];
	_ =	sdelay $0x6  }
0xfc: {  	[tilespmem:$0x12641] =	vst v3  }
0xfd: {  	v4 =	vld.idx.msk [tilespmem:v4+s3+$0x0], $0xffff;
	_ =	sdelay $0x4  }
0xfe: {  	(xrf2) =	vadd.scan.msk.f32 $0xffff, v4;
	_ =	sdelay $0x8  }
0xff: {  	v3 =	vperm.xlane v3, v29  }
0x100: {  	v4, _, _ =	vpop (xrf2)  }
0x101: {  	v3 =	vadd.f32 v4, v3;
	v4 =	vld [tilespmem:$0x1FFA0];
	_ =	sdelay $0x6  }
0x102: {  	[tilespmem:$0x12651] =	vst v3  }
0x103: {  	v4 =	vld.idx.msk [tilespmem:v4+s3+$0x0], $0xffff;
	_ =	sdelay $0x4  }
0x104: {  	(xrf2) =	vadd.scan.msk.f32 $0xffff, v4;
	_ =	sdelay $0x8  }
0x105: {  	v3 =	vperm.xlane v3, v29  }
0x106: {  	v4, _, _ =	vpop (xrf2)  }
0x107: {  	v3 =	vadd.f32 v4, v3;
	v4 =	vld [tilespmem:$0x1FFB0];
	_ =	sdelay $0x6  }
0x108: {  	[tilespmem:$0x12661] =	vst v3  }
0x109: {  	v4 =	vld.idx.msk [tilespmem:v4+s3+$0x0], $0xffff;
	_ =	sdelay $0x4  }
0x10a: {  	(xrf2) =	vadd.scan.msk.f32 $0xffff, v4;
	_ =	sdelay $0x8  }
0x10b: {  	v3 =	vperm.xlane v3, v29  }
0x10c: {  	v4, _, _ =	vpop (xrf2)  }
0x10d: {  	v3 =	vadd.f32 v4, v3;
	v4 =	vld [tilespmem:$0x1FFC0];
	_ =	sdelay $0x6  }
0x10e: {  	[tilespmem:$0x12671] =	vst v3  }
0x10f: {  	v4 =	vld.idx.msk [tilespmem:v4+s3+$0x0], $0xffff;
	_ =	sdelay $0x4  }
0x110: {  	(xrf2) =	vadd.scan.msk.f32 $0xffff, v4;
	_ =	sdelay $0x8  }
0x111: {  	v3 =	vperm.xlane v3, v29  }
0x112: {  	v4, _, _ =	vpop (xrf2)  }
0x113: {  	v3 =	vadd.f32 v4, v3;
	v4 =	vld [tilespmem:$0x1FFD0];
	_ =	sdelay $0x6  }
0x114: {  	[tilespmem:$0x12681] =	vst v3  }
0x115: {  	v4 =	vld.idx.msk [tilespmem:v4+s3+$0x0], $0xffff;
	_ =	sdelay $0x4  }
0x116: {  	(xrf2) =	vadd.scan.msk.f32 $0xffff, v4;
	_ =	sdelay $0x8  }
0x117: {  	v3 =	vperm.xlane v3, v29  }
0x118: {  	v4, _, _ =	vpop (xrf2)  }
0x119: {  	v3 =	vadd.f32 v4, v3;
	v4 =	vld [tilespmem:$0x1FFE0];
	_ =	sdelay $0x6  }
0x11a: {  	[tilespmem:$0x12691] =	vst v3  }
0x11b: {  	v4 =	vld.idx.msk [tilespmem:v4+s3+$0x0], $0xffff;
	_ =	sdelay $0x4  }
0x11c: {  	(xrf2) =	vadd.scan.msk.f32 $0xffff, v4;
	_ =	sdelay $0x8  }
0x11d: {  	v3 =	vperm.xlane v3, v29  }
0x11e: {  	v4, _, _ =	vpop (xrf2)  }
0x11f: {  	v3 =	vadd.f32 v4, v3;
	v4 =	vld [tilespmem:$0x1FFF0];
	_ =	sdelay $0x6  }
0x120: {  	[tilespmem:$0x126A1] =	vst v3  }
0x121: {  	v4 =	vld.idx.msk [tilespmem:v4+s3+$0x0], $0xffff;
	_ =	sdelay $0x4  }
0x122: {  	(xrf2) =	vadd.scan.msk.f32 $0xffff, v4;
	_ =	sdelay $0x8  }
0x123: {  	v3 =	vperm.xlane v3, v29  }
0x124: {  	v4, _, _ =	vpop (xrf2)  }
0x125: {  	v3 =	vadd.f32 v4, v3;
	_ =	sdelay $0x1  }
0x126: {  	[tilespmem:$0x126B1] =	vst v3  }
0x127: {  	v4 =	vld.idx.msk [tilespmem:v49+s3+$0x0], $0xffff;
	_ =	sdelay $0x4  }
0x128: {  	(xrf2) =	vadd.scan.msk.f32 $0xffff, v4;
	_ =	sdelay $0x8  }
0x129: {  	v3 =	vperm.xlane v3, v29  }
0x12a: {  	v4, _, _ =	vpop (xrf2)  }
0x12b: {  	v3 =	vadd.f32 v4, v3;
	_ =	sdelay $0x1  }
0x12c: {  	[tilespmem:$0x126C1] =	vst v3  }
0x12d: {  	v4 =	vld.idx.msk [tilespmem:v50+s3+$0x0], $0xffff;
	_ =	sdelay $0x4  }
0x12e: {  	(xrf2) =	vadd.scan.msk.f32 $0xffff, v4;
	_ =	sdelay $0x8  }
0x12f: {  	v3 =	vperm.xlane v3, v29  }
0x130: {  	v4, _, _ =	vpop (xrf2)  }
0x131: {  	v3 =	vadd.f32 v4, v3;
	_ =	sdelay $0x1  }
0x132: {  	[tilespmem:$0x126D1] =	vst v3  }
0x133: {  	v4 =	vld.idx.msk [tilespmem:v51+s3+$0x0], $0xffff;
	_ =	sdelay $0x4  }
0x134: {  	(xrf2) =	vadd.scan.msk.f32 $0xffff, v4;
	_ =	sdelay $0x8  }
0x135: {  	v3 =	vperm.xlane v3, v29  }
0x136: {  	v4, _, _ =	vpop (xrf2)  }
0x137: {  	v3 =	vadd.f32 v4, v3;
	_ =	sdelay $0x1  }
0x138: {  	[tilespmem:$0x126E1] =	vst v3  }
0x139: {  	v4 =	vld.idx.msk [tilespmem:v52+s3+$0x0], $0xffff;
	_ =	sdelay $0x4  }
0x13a: {  	(xrf2) =	vadd.scan.msk.f32 $0xffff, v4;
	_ =	sdelay $0x8  }
0x13b: {  	v3 =	vperm.xlane v3, v29  }
0x13c: {  	v4, _, _ =	vpop (xrf2)  }
0x13d: {  	v3 =	vadd.f32 v4, v3;
	_ =	sdelay $0x1  }
0x13e: {  	[tilespmem:$0x126F1] =	vst v3  }
0x13f: {  	v4 =	vld.idx.msk [tilespmem:v53+s3+$0x0], $0xffff;
	_ =	sdelay $0x4  }
0x140: {  	(xrf2) =	vadd.scan.msk.f32 $0xffff, v4;
	_ =	sdelay $0x8  }
0x141: {  	v3 =	vperm.xlane v3, v29  }
0x142: {  	v4, _, _ =	vpop (xrf2)  }
0x143: {  	v3 =	vadd.f32 v4, v3;
	_ =	sdelay $0x1  }
0x144: {  	[tilespmem:$0x12701] =	vst v3  }
0x145: {  	v4 =	vld.idx.msk [tilespmem:v54+s3+$0x0], $0xffff;
	_ =	sdelay $0x4  }
0x146: {  	(xrf2) =	vadd.scan.msk.f32 $0xffff, v4;
	_ =	sdelay $0x8  }
0x147: {  	v3 =	vperm.xlane v3, v29  }
0x148: {  	v4, _, _ =	vpop (xrf2)  }
0x149: {  	v3 =	vadd.f32 v4, v3;
	_ =	sdelay $0x1  }
0x14a: {  	[tilespmem:$0x12711] =	vst v3  }
0x14b: {  	v4 =	vld.idx.msk [tilespmem:v55+s3+$0x0], $0xffff;
	_ =	sdelay $0x4  }
0x14c: {  	(xrf2) =	vadd.scan.msk.f32 $0xffff, v4;
	_ =	sdelay $0x8  }
0x14d: {  	v3 =	vperm.xlane v3, v29  }
0x14e: {  	v4, _, _ =	vpop (xrf2)  }
0x14f: {  	v3 =	vadd.f32 v4, v3;
	_ =	sdelay $0x1  }
0x150: {  	[tilespmem:$0x12721] =	vst v3  }
0x151: {  	v4 =	vld.idx.msk [tilespmem:v56+s3+$0x0], $0xffff;
	_ =	sdelay $0x4  }
0x152: {  	(xrf2) =	vadd.scan.msk.f32 $0xffff, v4;
	_ =	sdelay $0x8  }
0x153: {  	v3 =	vperm.xlane v3, v29  }
0x154: {  	v4, _, _ =	vpop (xrf2)  }
0x155: {  	v3 =	vadd.f32 v4, v3;
	_ =	sdelay $0x1  }
0x156: {  	[tilespmem:$0x12731] =	vst v3  }
0x157: {  	v4 =	vld.idx.msk [tilespmem:v57+s3+$0x0], $0xffff;
	_ =	sdelay $0x4  }
0x158: {  	(xrf2) =	vadd.scan.msk.f32 $0xffff, v4;
	_ =	sdelay $0x8  }
0x159: {  	v3 =	vperm.xlane v3, v29  }
0x15a: {  	v4, _, _ =	vpop (xrf2)  }
0x15b: {  	v3 =	vadd.f32 v4, v3;
	_ =	sdelay $0x1  }
0x15c: {  	[tilespmem:$0x12741] =	vst v3  }
0x15d: {  	v4 =	vld.idx.msk [tilespmem:v58+s3+$0x0], $0xffff;
	_ =	sdelay $0x4  }
0x15e: {  	(xrf2) =	vadd.scan.msk.f32 $0xffff, v4;
	_ =	sdelay $0x8  }
0x15f: {  	v3 =	vperm.xlane v3, v29  }
0x160: {  	v4, _, _ =	vpop (xrf2)  }
0x161: {  	v3 =	vadd.f32 v4, v3;
	_ =	sdelay $0x1  }
0x162: {  	[tilespmem:$0x12751] =	vst v3  }
0x163: {  	v4 =	vld.idx.msk [tilespmem:v59+s3+$0x0], $0xffff;
	_ =	sdelay $0x4  }
0x164: {  	(xrf2) =	vadd.scan.msk.f32 $0xffff, v4;
	_ =	sdelay $0x8  }
0x165: {  	v3 =	vperm.xlane v3, v29  }
0x166: {  	v4, _, _ =	vpop (xrf2)  }
0x167: {  	v3 =	vadd.f32 v4, v3;
	_ =	sdelay $0x1  }
0x168: {  	[tilespmem:$0x12761] =	vst v3  }
0x169: {  	v4 =	vld.idx.msk [tilespmem:v61+s3+$0x0], $0xffff;
	_ =	sdelay $0x4  }
0x16a: {  	(xrf2) =	vadd.scan.msk.f32 $0xffff, v4;
	_ =	sdelay $0x8  }
0x16b: {  	v3 =	vperm.xlane v3, v29  }
0x16c: {  	v4, _, _ =	vpop (xrf2)  }
0x16d: {  	[tilespmem:$0x12800] =	vst v28;
	v3 =	vadd.f32 v4, v3  }
0x16e: {  	[tilespmem:$0x12840] =	vst v28  }
0x16f: {  	[tilespmem:$0x12771] =	vst v3  }
0x170: {  	v3 =	vld.idx.msk [tilespmem:v11+s11+$0x0], $0xffff;
	_ =	sdelay $0x4  }
0x171: {  	v3 =	vadd.s32 v26, v3;
	_ =	sdelay $0x4  }
0x172: {  	v3 =	vld.idx.msk [tilespmem:v3+s10+$0x0], $0xffff;
	_ =	sdelay $0x4  }
0x173: {  	(xrf2) =	vadd.scan.msk.f32 $0xffff, v3;
	_ =	sdelay $0x9  }
0x174: {  	v3, _, _ =	vpop (xrf2)  }
0x175: {  	v3 =	vadd.f32 $0.0e+00, v3;
	_ =	sdelay $0x1  }
0x176: {  	[tilespmem:$0x12801] =	vst v3  }
0x177: {  	v4 =	vld.idx.msk [tilespmem:v19+s11+$0x0], $0xffff;
	_ =	sdelay $0x4  }
0x178: {  	v4 =	vadd.s32 v30, v4;
	_ =	sdelay $0x4  }
0x179: {  	v4 =	vld.idx.msk [tilespmem:v4+s10+$0x0], $0xffff;
	_ =	sdelay $0x4  }
0x17a: {  	(xrf2) =	vadd.scan.msk.f32 $0xffff, v4;
	_ =	sdelay $0x8  }
0x17b: {  	v3 =	vperm.xlane v3, v29  }
0x17c: {  	v4, _, _ =	vpop (xrf2)  }
0x17d: {  	v3 =	vadd.f32 v4, v3;
	_ =	sdelay $0x1  }
0x17e: {  	[tilespmem:$0x12811] =	vst v3  }
0x17f: {  	v4 =	vld.idx.msk [tilespmem:v21+s11+$0x0], $0xffff;
	_ =	sdelay $0x4  }
0x180: {  	v4 =	vadd.s32 v31, v4;
	_ =	sdelay $0x4  }
0x181: {  	v4 =	vld.idx.msk [tilespmem:v4+s10+$0x0], $0xffff;
	_ =	sdelay $0x4  }
0x182: {  	(xrf2) =	vadd.scan.msk.f32 $0xffff, v4;
	_ =	sdelay $0x8  }
0x183: {  	v3 =	vperm.xlane v3, v29  }
0x184: {  	v4, _, _ =	vpop (xrf2)  }
0x185: {  	v3 =	vadd.f32 v4, v3;
	_ =	sdelay $0x1  }
0x186: {  	[tilespmem:$0x12821] =	vst v3  }
0x187: {  	v4 =	vld.idx.msk [tilespmem:v23+s11+$0x0], $0xffff;
	_ =	sdelay $0x4  }
0x188: {  	v4 =	vadd.s32 v32, v4;
	_ =	sdelay $0x4  }
0x189: {  	v4 =	vld.idx.msk [tilespmem:v4+s10+$0x0], $0xffff;
	_ =	sdelay $0x4  }
0x18a: {  	(xrf2) =	vadd.scan.msk.f32 $0xffff, v4;
	_ =	sdelay $0x8  }
0x18b: {  	v3 =	vperm.xlane v3, v29  }
0x18c: {  	v15 =	vmul.u32 $0xFFFFFFFB, v11;
	v4, _, _ =	vpop (xrf2)  }
0x18d: {  	v3 =	vadd.f32 v4, v3  }
0x18e: {  	v16 =	vadd.s32 $0xFFFFFFFF, v15;
	s30 =	simm.s32 $0x1  }
0x18f: {  	v5 =	vadd.s32 s30, v16;
	[tilespmem:$0x12831] =	vst v3;
	v3 =	vld [tilespmem:$0x1FDE0]  }
0x190: {  	vm1 =	vgt.s32 v5, $0x0  }
0x191: {  	v5 =	vnsel vm1, $0x0, v5  }
0x192: {  	v5 =	vmin.u32 v5, $0x1FF;
	v8 =	vld [tilespmem:$0x1FDC0]  }
0x193: {  	v17 =	vadd.s32 $0xFFFFFFFE, v15;
	v10 =	vshll.u32 v5, $0x7;
	v5 =	vld [tilespmem:$0x1FE40]  }
0x194: {  	v7 =	vadd.s32 s30, v17  }
0x195: {  	v6 =	vadd.s32 s30, v15;
	vm1 =	vgt.s32 v7, $0x0  }
0x196: {  	v22 =	vadd.s32 $0xFFFFFFFD, v15;
	v7 =	vnsel vm1, $0x0, v7;
	vm1 =	vgt.s32 v6, $0x0;
	v4 =	vld [tilespmem:$0x1FE00]  }
0x197: {  	v9 =	vadd.s32 s30, v22;
	v6 =	vnsel vm1, $0x0, v6;
	v3 =	vld.idx.msk [tilespmem:v3+s11+$0x0], $0xffff  }
0x198: {  	v20 =	vadd.s32 $0xFFFFFFFC, v15;
	vm2 =	vgt.s32 v9, $0x0;
	v14 =	vmin.u32 v6, $0x1FF;
	v6 =	vld [tilespmem:$0x1FDD0]  }
0x199: {  	v13 =	vadd.s32 s30, v20;
	v27 =	vnsel vm2, $0x0, v9;
	v9 =	vld [tilespmem:$0x1FE10]  }
0x19a: {  	vm1 =	vgt.s32 v13, $0x0;
	v8 =	vld.idx.msk [tilespmem:v8+s11+$0x0], $0xffff  }
0x19b: {  	v13 =	vnsel vm1, $0x0, v13;
	v5 =	vld.idx.msk [tilespmem:v5+s11+$0x0], $0xffff  }
0x19c: {  	v13 =	vmin.u32 v13, $0x1FF;
	v24 =	vadd.s32 v3, v10;
	v10 =	vld [tilespmem:$0x1FE20]  }
0x19d: {  	v33 =	vshll.u32 v13, $0x7;
	v13 =	vld [tilespmem:$0x1FE30]  }
0x19e: {  	v14 =	vshll.u32 v14, $0x7;
	v4 =	vld.idx.msk [tilespmem:v4+s11+$0x0], $0xffff  }
0x19f: {  	v34 =	vadd.s32 v8, v14;
	v14 =	vld [tilespmem:$0x1FE50];
	_ =	sdelay $0x1  }
0x1a0: {  	v7 =	vmin.u32 v7, $0x1FF;
	v6 =	vld.idx.msk [tilespmem:v6+s10+$0x0], $0xffff;
	v33 =	vadd.s32 v5, v33  }
0x1a1: {  	v7 =	vshll.u32 v7, $0x7;
	v9 =	vld.idx.msk [tilespmem:v9+s10+$0x0], $0xffff  }
0x1a2: {  	v25 =	vadd.s32 v4, v7;
	v7 =	vld [tilespmem:$0x1FDF0]  }
0x1a3: {  	v10 =	vld.idx.msk [tilespmem:v10+s11+$0x0], $0xffff  }
0x1a4: {  	v13 =	vld.idx.msk [tilespmem:v13+s10+$0x0], $0xffff  }
0x1a5: {  	v33 =	vld.idx.msk [tilespmem:v33+s3+$0x0], $0xffff  }
0x1a6: {  	v27 =	vmin.u32 v27, $0x1FF;
	v14 =	vld.idx.msk [tilespmem:v14+s10+$0x0], $0xffff  }
0x1a7: {  	v27 =	vshll.u32 v27, $0x7;
	v25 =	vld.idx.msk [tilespmem:v25+s3+$0x0], $0xffff  }
0x1a8: {  	v24 =	vld.idx.msk [tilespmem:v24+s3+$0x0], $0xffff;
	v27 =	vadd.s32 v10, v27  }
0x1a9: {  	v35 =	vimm.f32 $-1.000000020e+30  }
0x1aa: {  	v36 =	vsel vm0, $0x0, v35;
	v39 =	vadd.f32 v35, v9;
	v7 =	vld.idx.msk [tilespmem:v7+s10+$0x0], $0xffff  }
0x1ab: {  	v38 =	vperm.xlane v35, v60;
	v40 =	vadd.f32 v36, v6;
	v34 =	vld.idx.msk [tilespmem:v34+s3+$0x0], $0xffff;
	v33 =	vadd.f32 v33, v35  }
0x1ac: {  	vm1 =	veq.s32 v11, $0x0;
	v41 =	vadd.f32 v35, v14;
	v25 =	vadd.f32 v25, v35  }
0x1ad: {  	v38 =	vsel vm1, $0xF149F2CA, v38;
	v47 =	vadd.f32 v35, v13;
	v24 =	vadd.f32 v24, v36;
	v27 =	vld.idx.msk [tilespmem:v27+s3+$0x0], $0xffff  }
0x1ae: {  	v48 =	vmax.f32 v39, v25;
	v25 =	vmin.f32 v39, v25;
	v39 =	vmax.f32 v41, v33  }
0x1af: {  	v33 =	vmin.f32 v41, v33;
	v37 =	vadd.f32 v35, v7;
	v25 =	vsub.f32 v48, v25  }
0x1b0: {  	v34 =	vadd.f32 v38, v34;
	v33 =	vsub.f32 v39, v33  }
0x1b1: {  	v42 =	vmax.f32 v37, v24;
	v24 =	vmin.f32 v37, v24;
	v25 =	vmul.f32 $2.560000000e+02, v25  }
0x1b2: {  	v33 =	vmul.f32 $2.560000000e+02, v33;
	v24 =	vsub.f32 v42, v24;
	v27 =	vadd.f32 v27, v35  }
0x1b3: {  	v25 =	vmin.f32 v25, $4.095000000e+03;
	v35 =	vmax.f32 v40, v34;
	v34 =	vmin.f32 v40, v34  }
0x1b4: {  	v34 =	vsub.f32 v35, v34;
	v44 =	vmax.f32 v47, v27;
	v27 =	vmin.f32 v47, v27  }
0x1b5: {  	v24 =	vmul.f32 $2.560000000e+02, v24;
	v25 =	vtrunc.f32 v25;
	v27 =	vsub.f32 v44, v27  }
0x1b6: {  	v33 =	vmin.f32 v33, $4.095000000e+03;
	v25 =	vcvt.f32.s32 v25;
	v34 =	vmul.f32 $2.560000000e+02, v34  }
0x1b7: {  	v33 =	vtrunc.f32 v33;
	v24 =	vmin.f32 v24, $4.095000000e+03;
	v27 =	vmul.f32 $2.560000000e+02, v27  }
0x1b8: {  	v33 =	vcvt.f32.s32 v33;
	v24 =	vtrunc.f32 v24;
	v34 =	vmin.f32 v34, $4.095000000e+03  }
0x1b9: {  	v24 =	vcvt.f32.s32 v24;
	v34 =	vtrunc.f32 v34;
	v27 =	vmin.f32 v27, $4.095000000e+03  }
0x1ba: {  	v34 =	vcvt.f32.s32 v34;
	v27 =	vtrunc.f32 v27  }
0x1bb: {  	s31 =	simm.s32 $0x2;
	v27 =	vcvt.f32.s32 v27  }
0x1bc: {  	v45 =	vadd.s32 s31, v16;
	v25 =	vld.idx.msk [tilespmem:v25+s16+$0x0], $0xffff  }
0x1bd: {  	vm2 =	vgt.s32 v45, $0x0  }
0x1be: {  	v36 =	vnsel vm2, $0x0, v45;
	v33 =	vld.idx.msk [tilespmem:v33+s16+$0x0], $0xffff  }
0x1bf: {  	v46 =	vadd.s32 s31, v22;
	v36 =	vmin.u32 v36, $0x1FF;
	v24 =	vld.idx.msk [tilespmem:v24+s16+$0x0], $0xffff  }
0x1c0: {  	vm3 =	vgt.s32 v46, $0x0;
	v36 =	vshll.u32 v36, $0x7;
	v47 =	vadd.s32 s31, v15;
	v34 =	vld.idx.msk [tilespmem:v34+s16+$0x0], $0xffff  }
0x1c1: {  	vm2 =	vgt.s32 v47, $0x0;
	v38 =	vadd.f32 v25, v48;
	v48 =	vadd.s32 s31, v17;
	v27 =	vld.idx.msk [tilespmem:v27+s16+$0x0], $0xffff  }
0x1c2: {  	v37 =	vnsel vm3, $0x0, v46;
	v41 =	vnsel vm2, $0x0, v47;
	vm2 =	vgt.s32 v48, $0x0  }
0x1c3: {  	v37 =	vmin.u32 v37, $0x1FF;
	v41 =	vmin.u32 v41, $0x1FF;
	v43 =	vnsel vm2, $0x0, v48  }
0x1c4: {  	s25 =	simm.s32 $0x13970;
	v25 =	vshll.u32 v37, $0x7;
	v24 =	vadd.f32 v24, v42;
	v45 =	vmin.u32 v43, $0x1FF  }
0x1c5: {  	v39 =	vadd.f32 v33, v39;
	v25 =	vadd.s32 v10, v25;
	v33 =	vshll.u32 v45, $0x7;
	[tilespmem:s25+$0x0] =	vst v38  }
0x1c6: {  	[tilespmem:s25+$0xFFFFFFF0] =	vst v24;
	v34 =	vadd.f32 v35, v34;
	v40 =	vadd.f32 v27, v44;
	v27 =	vadd.s32 v3, v36  }
0x1c7: {  	v33 =	vadd.s32 v4, v33;
	[tilespmem:s25+$0x20] =	vst v39;
	v44 =	vshll.u32 v41, $0x7  }
0x1c8: {  	v47 =	vadd.s32 s31, v20;
	[tilespmem:s25+$0xFFFFFFE0] =	vst v34;
	v46 =	vadd.s32 v8, v44  }
0x1c9: {  	vm2 =	vgt.s32 v47, $0x0;
	[tilespmem:s25+$0x10] =	vst v40  }
0x1ca: {  	v35 =	vnsel vm2, $0x0, v47;
	v48 =	vld.idx.msk [tilespmem:v25+s3+$0x0], $0xffff  }
0x1cb: {  	v35 =	vmin.u32 v35, $0x1FF;
	v27 =	vld.idx.msk [tilespmem:v27+s3+$0x0], $0xffff  }
0x1cc: {  	v35 =	vshll.u32 v35, $0x7;
	v33 =	vld.idx.msk [tilespmem:v33+s3+$0x0], $0xffff  }
0x1cd: {  	v35 =	vadd.s32 v5, v35;
	v36 =	vld.idx.msk [tilespmem:v46+s3+$0x0], $0xffff;
	_ =	sdelay $0x1  }
0x1ce: {  	v42 =	vadd.f32 v38, v9;
	v45 =	vadd.f32 v24, v7;
	v25 =	vperm.xlane v39, v60  }
0x1cf: {  	v47 =	vadd.f32 v40, v13;
	v27 =	vadd.f32 v27, v34  }
0x1d0: {  	v25 =	vsel vm1, $0xF149F2CA, v25;
	v46 =	vadd.f32 v48, v38;
	v48 =	vadd.f32 v33, v24  }
0x1d1: {  	v41 =	vld.idx.msk [tilespmem:v35+s3+$0x0], $0xffff;
	v36 =	vadd.f32 v25, v36;
	v25 =	vmax.f32 v45, v27;
	v27 =	vmin.f32 v45, v27  }
0x1d2: {  	v34 =	vadd.f32 v34, v6;
	v43 =	vsub.f32 v25, v27  }
0x1d3: {  	v35 =	vadd.f32 v39, v14;
	v33 =	vmax.f32 v47, v46;
	v45 =	vmin.f32 v47, v46  }
0x1d4: {  	v46 =	vmin.f32 v42, v48;
	v24 =	vmax.f32 v34, v36;
	v43 =	vmul.f32 $2.560000000e+02, v43  }
0x1d5: {  	v34 =	vmin.f32 v34, v36;
	v27 =	vmax.f32 v42, v48;
	v36 =	vsub.f32 v33, v45  }
0x1d6: {  	v37 =	vadd.f32 v41, v40;
	v42 =	vsub.f32 v27, v46;
	v47 =	vmin.f32 v43, $4.095000000e+03  }
0x1d7: {  	v38 =	vsub.f32 v24, v34;
	v39 =	vmul.f32 $2.560000000e+02, v36;
	v48 =	vtrunc.f32 v47  }
0x1d8: {  	s28 =	simm.s32 $0x4;
	s26 =	simm.s32 $0x13970;
	v34 =	vmax.f32 v35, v37;
	v40 =	vmul.f32 $2.560000000e+02, v42;
	v36 =	vcvt.f32.s32 v48  }
.LBB2_5:
0x1d9: {  	p0 =	sne.s32 s28, $0x23E  }
0x1da: {  	v35 =	vmin.f32 v35, v37;
	v37 =	vmul.f32 $2.560000000e+02, v38;
	v38 =	vmin.f32 v39, $4.095000000e+03;
	s25 =	sadd.s32 $0xA0, s25;
	s29 =	smov.u32 s28;
	s28 =	sadd.s32 $0x2, s28  }
0x1db: {  	v39 =	vmin.f32 v40, $4.095000000e+03;
	v35 =	vsub.f32 v34, v35;
	v38 =	vtrunc.f32 v38  }
0x1dc: {  	v37 =	vmin.f32 v37, $4.095000000e+03;
	v39 =	vtrunc.f32 v39;
	v38 =	vcvt.f32.s32 v38  }
0x1dd: {  	v37 =	vtrunc.f32 v37;
	v39 =	vcvt.f32.s32 v39  }
0x1de: {  	v35 =	vmul.f32 $2.560000000e+02, v35;
	v37 =	vcvt.f32.s32 v37  }
0x1df: {  	v36 =	vld.idx.msk [tilespmem:v36+s16+$0x0], $0xffff  }
0x1e0: {  	v35 =	vmin.f32 v35, $4.095000000e+03  }
0x1e1: {  	s30 =	sadd.s32 $0xFFFFFFFF, s29;
	v35 =	vtrunc.f32 v35  }
0x1e2: {  	v40 =	vadd.s32 s30, v16;
	v35 =	vcvt.f32.s32 v35;
	v38 =	vld.idx.msk [tilespmem:v38+s16+$0x0], $0xffff  }
0x1e3: {  	v41 =	vadd.s32 s30, v15;
	v42 =	vadd.s32 s30, v17;
	vm2 =	vgt.s32 v40, $0x0;
	v39 =	vld.idx.msk [tilespmem:v39+s16+$0x0], $0xffff  }
0x1e4: {  	v40 =	vnsel vm2, $0x0, v40;
	vm2 =	vgt.s32 v42, $0x0;
	v37 =	vld.idx.msk [tilespmem:v37+s16+$0x0], $0xffff  }
0x1e5: {  	v43 =	vadd.s32 s30, v22;
	v40 =	vmin.u32 v40, $0x1FF;
	v42 =	vnsel vm2, $0x0, v42  }
0x1e6: {  	vm2 =	vgt.s32 v41, $0x0;
	v42 =	vmin.u32 v42, $0x1FF;
	v40 =	vshll.u32 v40, $0x7  }
0x1e7: {  	v41 =	vnsel vm2, $0x0, v41;
	v40 =	vadd.s32 v3, v40;
	v42 =	vshll.u32 v42, $0x7  }
0x1e8: {  	v44 =	vadd.s32 s30, v20;
	v41 =	vmin.u32 v41, $0x1FF;
	v42 =	vadd.s32 v4, v42;
	v35 =	vld.idx.msk [tilespmem:v35+s16+$0x0], $0xffff  }
0x1e9: {  	vm3 =	vgt.s32 v44, $0x0;
	vm2 =	vgt.s32 v43, $0x0;
	v25 =	vadd.f32 v36, v25  }
0x1ea: {  	v36 =	vnsel vm2, $0x0, v43;
	v43 =	vnsel vm3, $0x0, v44;
	v33 =	vadd.f32 v38, v33  }
0x1eb: {  	v41 =	vshll.u32 v41, $0x7;
	v36 =	vmin.u32 v36, $0x1FF;
	v38 =	vmin.u32 v43, $0x1FF;
	[tilespmem:s26+$0x40] =	vst v25  }
0x1ec: {  	v36 =	vshll.u32 v36, $0x7;
	v38 =	vshll.u32 v38, $0x7;
	v27 =	vadd.f32 v39, v27;
	[tilespmem:s26+$0x60] =	vst v33  }
0x1ed: {  	v36 =	vadd.s32 v10, v36;
	v38 =	vadd.s32 v5, v38;
	v24 =	vadd.f32 v24, v37  }
0x1ee: {  	v39 =	vadd.s32 s29, v16;
	v37 =	vadd.s32 v8, v41;
	v34 =	vadd.f32 v35, v34;
	[tilespmem:s26+$0x50] =	vst v27  }
0x1ef: {  	vm2 =	vgt.s32 v39, $0x0;
	v41 =	vadd.s32 s29, v22;
	v35 =	vadd.f32 v25, v7;
	[tilespmem:s26+$0x30] =	vst v24  }
0x1f0: {  	v43 =	vadd.s32 s29, v15;
	v39 =	vnsel vm2, $0x0, v39;
	vm2 =	vgt.s32 v41, $0x0;
	[tilespmem:s26+$0x70] =	vst v34;
	s26 =	smov.u32 s25  }
0x1f1: {  	vm3 =	vgt.s32 v43, $0x0;
	v39 =	vmin.u32 v39, $0x1FF;
	v41 =	vnsel vm2, $0x0, v41;
	v42 =	vld.idx.msk [tilespmem:v42+s3+$0x0], $0xffff  }
0x1f2: {  	v43 =	vnsel vm3, $0x0, v43;
	v41 =	vmin.u32 v41, $0x1FF;
	v39 =	vshll.u32 v39, $0x7;
	v40 =	vld.idx.msk [tilespmem:v40+s3+$0x0], $0xffff  }
0x1f3: {  	v43 =	vmin.u32 v43, $0x1FF;
	v41 =	vshll.u32 v41, $0x7;
	v44 =	vperm.xlane v34, v60;
	v37 =	vld.idx.msk [tilespmem:v37+s3+$0x0], $0xffff  }
0x1f4: {  	v46 =	vadd.s32 s29, v17;
	v47 =	vadd.s32 s29, v20;
	v45 =	vadd.f32 v27, v9;
	v38 =	vld.idx.msk [tilespmem:v38+s3+$0x0], $0xffff  }
0x1f5: {  	vm3 =	vgt.s32 v47, $0x0;
	vm2 =	vgt.s32 v46, $0x0;
	v44 =	vsel vm1, $0xF149F2CA, v44;
	v36 =	vld.idx.msk [tilespmem:v36+s3+$0x0], $0xffff  }
0x1f6: {  	v47 =	vnsel vm3, $0x0, v47;
	v48 =	vadd.f32 v24, v6;
	v46 =	vnsel vm2, $0x0, v46  }
0x1f7: {  	v25 =	vadd.f32 v42, v25;
	v42 =	vmin.u32 v46, $0x1FF;
	v46 =	vmin.u32 v47, $0x1FF  }
0x1f8: {  	v34 =	vadd.f32 v34, v14;
	v24 =	vadd.f32 v40, v24;
	v40 =	vshll.u32 v42, $0x7  }
0x1f9: {  	v42 =	vadd.f32 v33, v13;
	v37 =	vadd.f32 v44, v37;
	v44 =	vmax.f32 v45, v25  }
0x1fa: {  	v25 =	vmin.f32 v45, v25;
	v33 =	vadd.f32 v38, v33;
	v38 =	vmax.f32 v35, v24  }
0x1fb: {  	v25 =	vsub.f32 v44, v25;
	v27 =	vadd.f32 v36, v27;
	v36 =	vmax.f32 v48, v37  }
0x1fc: {  	v37 =	vmin.f32 v48, v37;
	v45 =	vmax.f32 v34, v33;
	v33 =	vmin.f32 v34, v33  }
0x1fd: {  	v25 =	vmul.f32 $2.560000000e+02, v25;
	v34 =	vmax.f32 v42, v27;
	v27 =	vmin.f32 v42, v27  }
0x1fe: {  	v24 =	vmin.f32 v35, v24;
	v35 =	vsub.f32 v36, v37;
	v27 =	vsub.f32 v34, v27  }
0x1ff: {  	v24 =	vsub.f32 v38, v24;
	v37 =	vshll.u32 v46, $0x7;
	v25 =	vmin.f32 v25, $4.095000000e+03  }
0x200: {  	v33 =	vsub.f32 v45, v33;
	v25 =	vtrunc.f32 v25;
	v27 =	vmul.f32 $2.560000000e+02, v27  }
0x201: {  	v24 =	vmul.f32 $2.560000000e+02, v24;
	v35 =	vmul.f32 $2.560000000e+02, v35  }
0x202: {  	v33 =	vmul.f32 $2.560000000e+02, v33;
	v25 =	vcvt.f32.s32 v25;
	v27 =	vmin.f32 v27, $4.095000000e+03  }
0x203: {  	v24 =	vmin.f32 v24, $4.095000000e+03;
	v35 =	vmin.f32 v35, $4.095000000e+03;
	v27 =	vtrunc.f32 v27  }
0x204: {  	v24 =	vtrunc.f32 v24;
	v33 =	vmin.f32 v33, $4.095000000e+03;
	v27 =	vcvt.f32.s32 v27  }
0x205: {  	v24 =	vcvt.f32.s32 v24;
	v33 =	vtrunc.f32 v33  }
0x206: {  	v35 =	vtrunc.f32 v35;
	v33 =	vcvt.f32.s32 v33  }
0x207: {  	v35 =	vcvt.f32.s32 v35  }
0x208: {  	v25 =	vld.idx.msk [tilespmem:v25+s16+$0x0], $0xffff;
	_ =	sdelay $0x2  }
0x209: {  	v24 =	vld.idx.msk [tilespmem:v24+s16+$0x0], $0xffff  }
0x20a: {  	v27 =	vld.idx.msk [tilespmem:v27+s16+$0x0], $0xffff  }
0x20b: {  	v33 =	vld.idx.msk [tilespmem:v33+s16+$0x0], $0xffff  }
0x20c: {  	v42 =	vadd.f32 v25, v44;
	v35 =	vld.idx.msk [tilespmem:v35+s16+$0x0], $0xffff;
	_ =	sdelay $0x1  }
0x20d: {  	[tilespmem:s25+$0x0] =	vst v42  }
0x20e: {  	v24 =	vadd.f32 v24, v38  }
0x20f: {  	v25 =	vshll.u32 v43, $0x7;
	v34 =	vadd.f32 v27, v34;
	v27 =	vadd.s32 v3, v39  }
0x210: {  	v25 =	vadd.s32 v8, v25;
	v33 =	vadd.f32 v33, v45;
	[tilespmem:s25+$0xFFFFFFF0] =	vst v24  }
0x211: {  	v36 =	vadd.f32 v36, v35;
	v35 =	vadd.s32 v4, v40;
	[tilespmem:s25+$0x10] =	vst v34  }
0x212: {  	v38 =	vadd.s32 v10, v41;
	[tilespmem:s25+$0x20] =	vst v33  }
0x213: {  	v37 =	vadd.s32 v5, v37;
	[tilespmem:s25+$0xFFFFFFE0] =	vst v36  }
0x214: {  	v27 =	vld.idx.msk [tilespmem:v27+s3+$0x0], $0xffff  }
0x215: {  	v25 =	vld.idx.msk [tilespmem:v25+s3+$0x0], $0xffff  }
0x216: {  	v39 =	vld.idx.msk [tilespmem:v35+s3+$0x0], $0xffff  }
0x217: {  	v38 =	vld.idx.msk [tilespmem:v38+s3+$0x0], $0xffff  }
0x218: {  	v40 =	vperm.xlane v33, v60;
	v35 =	vadd.f32 v33, v14;
	v37 =	vld.idx.msk [tilespmem:v37+s3+$0x0], $0xffff  }
0x219: {  	v41 =	vadd.f32 v42, v9;
	v33 =	vadd.f32 v24, v7  }
0x21a: {  	v43 =	vadd.f32 v36, v6;
	v40 =	vsel vm1, $0xF149F2CA, v40;
	v27 =	vadd.f32 v27, v36  }
0x21b: {  	v36 =	vadd.f32 v34, v13;
	v40 =	vadd.f32 v40, v25  }
0x21c: {  	v39 =	vadd.f32 v39, v24;
	v25 =	vmax.f32 v33, v27;
	v27 =	vmin.f32 v33, v27  }
0x21d: {  	v38 =	vadd.f32 v38, v42;
	v24 =	vmax.f32 v43, v40;
	v42 =	vsub.f32 v25, v27  }
0x21e: {  	v40 =	vmin.f32 v43, v40;
	v27 =	vmax.f32 v41, v39;
	v39 =	vmin.f32 v41, v39  }
.Ltmp2:
0x21f: {  	v33 =	vmax.f32 v36, v38;
	v36 =	vmin.f32 v36, v38;
	v41 =	vmul.f32 $2.560000000e+02, v42;
	(pc) =	sbr.rel @p0 .LBB2_5-.Ltmp2, $4  }
0x220: {  	v42 =	vsub.f32 v27, v39;
	v36 =	vsub.f32 v33, v36  }
0x221: {  	v37 =	vadd.f32 v37, v34;
	v38 =	vsub.f32 v24, v40;
	v34 =	vmin.f32 v41, $4.095000000e+03  }
0x222: {  	v39 =	vmul.f32 $2.560000000e+02, v36;
	v36 =	vtrunc.f32 v34  }
0x223: {  	v40 =	vmul.f32 $2.560000000e+02, v42;
	v34 =	vmax.f32 v35, v37;
	v36 =	vcvt.f32.s32 v36  }
0x224: {  	v16 =	vmul.f32 $2.560000000e+02, v38;
	_ =	sdelay $0x1  }
0x225: {  	v16 =	vmin.f32 v16, $4.095000000e+03  }
0x226: {  	v16 =	vtrunc.f32 v16  }
0x227: {  	v16 =	vcvt.f32.s32 v16;
	_ =	sdelay $0x5  }
0x228: {  	v15 =	vmin.f32 v35, v37;
	v16 =	vld.idx.msk [tilespmem:v16+s16+$0x0], $0xffff  }
0x229: {  	v17 =	vmin.f32 v39, $4.095000000e+03;
	v15 =	vsub.f32 v34, v15  }
0x22a: {  	v17 =	vtrunc.f32 v17  }
0x22b: {  	v20 =	vmin.f32 v40, $4.095000000e+03;
	v17 =	vcvt.f32.s32 v17;
	v15 =	vmul.f32 $2.560000000e+02, v15  }
0x22c: {  	v20 =	vtrunc.f32 v20  }
0x22d: {  	v20 =	vcvt.f32.s32 v20;
	v15 =	vmin.f32 v15, $4.095000000e+03;
	v16 =	vadd.f32 v24, v16;
	v24 =	vld [tilespmem:$0x1FE70]  }
0x22e: {  	v15 =	vtrunc.f32 v15  }
0x22f: {  	v15 =	vcvt.f32.s32 v15  }
0x230: {  	v22 =	vld.idx.msk [tilespmem:v36+s16+$0x0], $0xffff  }
0x231: {  	v17 =	vld.idx.msk [tilespmem:v17+s16+$0x0], $0xffff  }
0x232: {  	v3 =	vadd.s32 v24, v3;
	v24 =	vld [tilespmem:$0x1FE80]  }
0x233: {  	v20 =	vld.idx.msk [tilespmem:v20+s16+$0x0], $0xffff;
	_ =	sdelay $0x1  }
0x234: {  	v15 =	vld.idx.msk [tilespmem:v15+s16+$0x0], $0xffff  }
0x235: {  	v22 =	vadd.f32 v22, v25;
	v25 =	vld [tilespmem:$0x1FE60]  }
0x236: {  	v17 =	vadd.f32 v17, v33;
	v4 =	vadd.s32 v24, v4;
	v24 =	vld [tilespmem:$0x1FE90]  }
0x237: {  	[tilespmem:s26+$0x40] =	vst v22;
	v20 =	vadd.f32 v20, v27  }
0x238: {  	[tilespmem:s26+$0x60] =	vst v17  }
0x239: {  	[tilespmem:s26+$0x50] =	vst v20;
	v15 =	vadd.f32 v15, v34  }
0x23a: {  	[tilespmem:s26+$0x30] =	vst v16  }
0x23b: {  	v8 =	vadd.s32 v25, v8;
	[tilespmem:s26+$0x70] =	vst v15;
	v10 =	vadd.s32 v24, v10;
	v24 =	vld [tilespmem:$0x1FEA0]  }
0x23c: {  	v3 =	vld.idx.msk [tilespmem:v3+s3+$0x0], $0xffff;
	_ =	sdelay $0x3  }
0x23d: {  	v8 =	vld.idx.msk [tilespmem:v8+s3+$0x0], $0xffff;
	v5 =	vadd.s32 v24, v5  }
0x23e: {  	v7 =	vadd.f32 v22, v7;
	v3 =	vadd.f32 v3, v16  }
0x23f: {  	v10 =	vld.idx.msk [tilespmem:v10+s3+$0x0], $0xffff;
	v24 =	vperm.xlane v15, v60  }
0x240: {  	v6 =	vadd.f32 v16, v6;
	v16 =	vmax.f32 v7, v3;
	v3 =	vmin.f32 v7, v3  }
0x241: {  	v4 =	vld.idx.msk [tilespmem:v4+s3+$0x0], $0xffff;
	v3 =	vsub.f32 v16, v3;
	v24 =	vsel vm1, $0xF149F2CA, v24  }
0x242: {  	v8 =	vadd.f32 v24, v8;
	v5 =	vld.idx.msk [tilespmem:v5+s3+$0x0], $0xffff  }
0x243: {  	v13 =	vadd.f32 v17, v13;
	v14 =	vadd.f32 v15, v14;
	v3 =	vmul.f32 $2.560000000e+02, v3  }
0x244: {  	v10 =	vadd.f32 v10, v20;
	v15 =	vmax.f32 v6, v8;
	v6 =	vmin.f32 v6, v8  }
0x245: {  	v9 =	vadd.f32 v20, v9;
	v3 =	vmin.f32 v3, $4.095000000e+03;
	v6 =	vsub.f32 v15, v6  }
0x246: {  	v4 =	vadd.f32 v4, v22;
	v3 =	vtrunc.f32 v3;
	v20 =	vmax.f32 v13, v10  }
0x247: {  	v47 =	vmin.f32 v13, v10;
	v6 =	vmul.f32 $2.560000000e+02, v6;
	v5 =	vadd.f32 v5, v17  }
0x248: {  	v7 =	vsub.f32 v20, v47;
	v17 =	vmax.f32 v9, v4;
	v4 =	vmin.f32 v9, v4  }
0x249: {  	v4 =	vsub.f32 v17, v4;
	v22 =	vmax.f32 v14, v5;
	v5 =	vmin.f32 v14, v5  }
0x24a: {  	v6 =	vmin.f32 v6, $4.095000000e+03;
	v7 =	vmul.f32 $2.560000000e+02, v7;
	v5 =	vsub.f32 v22, v5  }
0x24b: {  	v6 =	vtrunc.f32 v6;
	v4 =	vmul.f32 $2.560000000e+02, v4  }
0x24c: {  	v6 =	vcvt.f32.s32 v6;
	v7 =	vmin.f32 v7, $4.095000000e+03;
	v5 =	vmul.f32 $2.560000000e+02, v5  }
0x24d: {  	v3 =	vcvt.f32.s32 v3;
	v7 =	vtrunc.f32 v7;
	v4 =	vmin.f32 v4, $4.095000000e+03  }
0x24e: {  	v7 =	vcvt.f32.s32 v7;
	v4 =	vtrunc.f32 v4;
	v5 =	vmin.f32 v5, $4.095000000e+03  }
0x24f: {  	v4 =	vcvt.f32.s32 v4;
	v5 =	vtrunc.f32 v5  }
0x250: {  	v5 =	vcvt.f32.s32 v5;
	_ =	sdelay $0x1  }
0x251: {  	v6 =	vld.idx.msk [tilespmem:v6+s16+$0x0], $0xffff  }
0x252: {  	v3 =	vld.idx.msk [tilespmem:v3+s16+$0x0], $0xffff  }
0x253: {  	v7 =	vld.idx.msk [tilespmem:v7+s16+$0x0], $0xffff  }
0x254: {  	v4 =	vld.idx.msk [tilespmem:v4+s16+$0x0], $0xffff  }
0x255: {  	v5 =	vld.idx.msk [tilespmem:v5+s16+$0x0], $0xffff  }
0x256: {  	v6 =	vadd.f32 v15, v6  }
0x257: {  	v3 =	vadd.f32 v3, v16  }
0x258: {  	[tilespmem:$0x1ECB0] =	vst v6;
	v48 =	vadd.f32 v7, v20  }
0x259: {  	[tilespmem:$0x1ECC0] =	vst v3;
	v4 =	vadd.f32 v4, v17  }
0x25a: {  	[tilespmem:$0x1ECE0] =	vst v48;
	v3 =	vadd.f32 v5, v22  }
0x25b: {  	[tilespmem:$0x1ECD0] =	vst v4  }
0x25c: {  	[tilespmem:$0x1ECF0] =	vst v3  }
0x25d: {  	v3 =	vld.idx.msk [tilespmem:v63+s14+$0x0], $0xffff;
	_ =	sdelay $0x1  }
0x25e: {  	s23 =	sadd.s32 s23, s24  }
0x25f: {  	s23 =	smul.u32 $0x50, s23;
	_ =	sdelay $0x1  }
0x260: {  	v3 =	vadd.s32 s23, v3;
	_ =	sdelay $0x2  }
0x261: {  	v4 =	vld.idx.msk [tilespmem:v62+s18+$0x0], $0xffff  }
0x262: {  	v63 =	vld.idx.msk [tilespmem:v63+s19+$0x0], $0xffff  }
0x263: {  	v3 =	vld.idx.msk [tilespmem:v3+s17+$0x0], $0xffff;
	_ =	sdelay $0x2  }
0x264: {  	v1 =	vadd.f32 v2, v1;
	_ =	sdelay $0x1  }
0x265: {  	v2 =	vadd.f32 v63, v4;
	v1 =	vadd.f32 v3, v1;
	_ =	sdelay $0x1  }
0x266: {  	s22 =	sadd.s32 $0x1, s22;
	v1 =	vadd.f32 v2, v1  }
0x267: {  	p0 =	sne.s32 s22, s9  }
.Ltmp3:
0x268: {  	[tilespmem:$0x1ED00] =	vst v1;
	(pc) =	sbr.rel @p0 .LBB2_2-.Ltmp3, $4  }
0x269: {  	[hbm4b:s5+s3] =	stream.linear.scatter [tilespmem:s20], [sflag:$0x2], $0x80, $0x38;
	[tilespmem:$0x1EE00] =	vst v63  }
0x26a: {  	_ =	swait.ge [sflag:s21], $0x80  }
0x26b: {  	[sflag:s21] =	ssyncset.done $0x0  }
0x26c: {  	[sflag:s21] =	ssyncadd.s32 $0xFFFFFF80  }
.LBB2_7:
0x26d: {  	_ =	sfence.sel $0x180000  }
0x26e: {  	[bflag:$0x0] =	sbarrier.arrive $0xFFFF  }
0x26f: {  	p0 =	sne.s32 s4, $0x0;
	_ =	strace $0x90000047  }
0x270: {  	s0 =	sadd.s32 @!p0 $0x100000, s1;
	[bflag:$0x2] =	sbarrier.arrive $0xFFFF  }
0x271: {  	[sflag:s0] =	ssyncadd.tile.s32 @!p0 $0x1;
	_ =	shalt  }
.Lfunc_end2:
_tile_overlayer_lowered:
.L_overlay_start_2:
0x272: {  	(tag) =	ssettag $0x2  }
0x273: {  	s0 =	rddreg [dreg:$0x0];
	s2 =	stileid.u32  }
0x274: {  	s1 =	rddreg [dreg:$0x1];
	p0 =	sne.s32 s2, $0x0  }
0x275: {  	s3 =	rddreg [dreg:$0x2];
	[bflag:$0x3] =	sbarrier.arrive $0xFFFF;
	s2 =	simm.s32 @!p0 $0x1C02  }
0x276: {  	[timem:s3], [sflag:s2] =	dma.local @!p0 [hbm:s0], s1  }
0x277: {  	s0 =	simm.s32 @!p0 $0x2  }
0x278: {  	_ =	swait.ge @!p0 [sflag:s0], s1  }
0x279: {  	s1 =	ssub.s32 @!p0 $0x0, s1;
	[sflag:s0] =	ssyncset.done @!p0 $0x0  }
0x27a: {  	[sflag:s0] =	ssyncadd.s32 @!p0 s1  }
0x27b: {  	[bflag:$0x3] =	sbarrier.arrive $0xFFFF  }
0x27c: {  	_ =	shalt  }

</sc_bundles>
